<compile_context>
chip_gen: v7x
topology: tpu7x:2x2x1
jax: 0.10.2.dev20260603
libtpu: 0.0.44.dev20260713+nightly
codegen_flags: <defaults>
</compile_context>

<pallas_src>
import functools

import jax
import jax.numpy as jnp
from jax import lax
from jax.experimental import pallas as pl
from jax.experimental.pallas import tpu as pltpu
from jax.experimental.pallas import tpu_sc as plsc

D_MODEL = 1024
SEQ_LEN = 4096
BATCH = 4

_info = plsc.get_sparse_core_info()
_NC, _NS = _info.num_cores, _info.num_subcores
_NW = _NC * _NS
_ROWS_PER_W = SEQ_LEN // _NW
_CHUNK = 32
_NCHUNK = _ROWS_PER_W // _CHUNK
_NBUF = 3


@jax.jit
def _pos_embed(pos_emb):
    mesh = plsc.VectorSubcoreMesh(core_axis_name="c", subcore_axis_name="s")

    @functools.partial(
        pl.kernel,
        mesh=mesh,
        out_type=jax.ShapeDtypeStruct((BATCH, SEQ_LEN, D_MODEL), jnp.float32),
        scratch_types=[
            pltpu.VMEM((_NBUF, _CHUNK, D_MODEL), jnp.float32),
            pltpu.SemaphoreType.DMA,
            pltpu.SemaphoreType.DMA,
        ],
    )
    def body(emb_hbm, out_hbm, bufs, rsem, wsem):
        wid = lax.axis_index("c") * _NS + lax.axis_index("s")
        base = wid * _ROWS_PER_W

        def read(c):
            return pltpu.async_copy(
                emb_hbm.at[pl.ds(base + c * _CHUNK, _CHUNK)],
                bufs.at[c % _NBUF],
                rsem,
            )

        _P = _NBUF - 1
        reads = [read(c) for c in range(min(_P, _NCHUNK))]
        writes = [None] * _NCHUNK
        drained = 0
        for c in range(_NCHUNK):
            reads[c].wait()
            start = base + c * _CHUNK
            writes[c] = [
                pltpu.async_copy(
                    bufs.at[c % _NBUF], out_hbm.at[b, pl.ds(start, _CHUNK)], wsem
                )
                for b in range(BATCH)
            ]
            nxt = c + _P
            if nxt < _NCHUNK:
                prev = nxt - _NBUF
                if prev >= 0:
                    for h in writes[prev]:
                        h.wait()
                    drained = prev + 1
                reads.append(read(nxt))
        for c in range(drained, _NCHUNK):
            for h in writes[c]:
                h.wait()

    return body(pos_emb)


def kernel(x, pos_emb):
    del x
    return _pos_embed(pos_emb)

# --- scband reference (transcript-rebuilt; emitter-appended) ---
"""Pipeline reference for scband-positional-embedding-26620207300899 (READ-ONLY COPY).

The authoritative reference and input builder live on the scoring server;
editing this copy changes nothing except your own understanding.
"""

import jax, jax.numpy as jnp
import numpy as np

D_MODEL = 1024
MAX_LEN = 8192
BATCH = 4
SEQ_LEN = 4096


def setup_inputs(seed: int = 0) -> dict:
    key = jax.random.key(seed)
    k1, k2 = jax.random.split(key)
    x = jax.random.randint(k1, (BATCH, SEQ_LEN), 0, MAX_LEN, dtype=jnp.int64 if jax.config.jax_enable_x64 else jnp.int32)
    pos_emb = jax.random.normal(k2, (MAX_LEN, D_MODEL), dtype=jnp.float32) * 0.02
    return {"x": x, "pos_emb": pos_emb}


def reference(x, pos_emb):
    # BERT-style learnable absolute positional embeddings.
    seq_len = x.shape[1]
    # position_ids = arange(seq_len) broadcast to x's shape [B, S]
    position_ids = jnp.arange(seq_len, dtype=jnp.int32)
    position_ids = jnp.broadcast_to(position_ids[None, :], x.shape)
    # embedding lookup -> [B, S, d_model]
    return jnp.take(pos_emb, position_ids, axis=0)

if __name__ == "__main__":
    import jax
    _d = setup_inputs()
    print(jax.jit(kernel)(*tuple(_d.values())))

</pallas_src>

<mosaic_0001>
#map = affine_map<(d0, d1) -> (0, 0)>
#map1 = affine_map<(d0, d1) -> (0, 0, 0)>
module attributes {stable_mosaic.version = 14 : i64} {
  func.func @body(%arg0: i32, %arg1: i32, %arg2: memref<8192x1024xf32, #tpu.memory_space<hbm>>, %arg3: memref<4x4096x1024xf32, #tpu.memory_space<hbm>>, %arg4: memref<3x32x1024xf32, #tpu.memory_space<vmem>>, %arg5: memref<!tpu.dma_semaphore, #tpu.memory_space<semaphore_mem>>, %arg6: memref<!tpu.dma_semaphore, #tpu.memory_space<semaphore_mem>>) attributes {dimension_semantics = [#tpu.dimension_semantics<core_parallel>, #tpu.dimension_semantics<subcore_parallel>], iteration_bounds = array<i64: 2, 16>, scalar_prefetch = 0 : i64, scratch_operands = 3 : i64, tpu.core_type = #tpu.core_type<sc_vector_subcore>, window_params = [{transform_indices = #map}, {transform_indices = #map1}]} {
    %mul3A = arith.constant 16 : i32
    %mul3A_0 = arith.muli %arg0, %mul3A : i32
    %add3A = arith.addi %mul3A_0, %arg1 : i32
    %mul3A_1 = arith.constant 128 : i32
    %mul3A_2 = arith.muli %add3A, %mul3A_1 : i32
    %add3A_3 = arith.constant 0 : i32
    %add3A_4 = arith.addi %mul3A_2, %add3A_3 : i32
    %dma_start3A = arith.constant 0 : i32
    %dma_start3A_5 = arith.constant 0 : i32
    %dma_start3A_6 = arith.constant 0 : i32
    %dma_start3A_7 = tpu.memref_slice %arg4[%dma_start3A, %dma_start3A_5, %dma_start3A_6] : memref<3x32x1024xf32, #tpu.memory_space<vmem>> -> memref<1x32x1024xf32, #tpu.memory_space<vmem>>
    %dma_start3A_8 = tpu.memref_squeeze %dma_start3A_7 : memref<1x32x1024xf32, #tpu.memory_space<vmem>> -> memref<32x1024xf32, #tpu.memory_space<vmem>>
    %dma_start3A_9 = arith.constant 0 : i32
    %dma_start3A_10 = tpu.memref_slice %arg2[%add3A_4, %dma_start3A_9] : memref<8192x1024xf32, #tpu.memory_space<hbm>> -> memref<32x1024xf32, #tpu.memory_space<hbm>>
    %dma_start3A_11 = arith.constant 0 : i32
    %dma_start3A_12 = arith.constant 0 : i32
    %dma_start3A_13 = tpu.memref_slice %arg4[%dma_start3A, %dma_start3A_11, %dma_start3A_12] : memref<3x32x1024xf32, #tpu.memory_space<vmem>> -> memref<1x32x1024xf32, #tpu.memory_space<vmem>>
    %dma_start3A_14 = tpu.memref_squeeze %dma_start3A_13 : memref<1x32x1024xf32, #tpu.memory_space<vmem>> -> memref<32x1024xf32, #tpu.memory_space<vmem>>
    %dma_start3A_15 = arith.constant 0 : i32
    %dma_start3A_16 = tpu.memref_slice %arg2[%add3A_4, %dma_start3A_15] : memref<8192x1024xf32, #tpu.memory_space<hbm>> -> memref<32x1024xf32, #tpu.memory_space<hbm>>
    tpu.enqueue_dma source(%dma_start3A_16 : memref<32x1024xf32, #tpu.memory_space<hbm>>) target(%dma_start3A_14 : memref<32x1024xf32, #tpu.memory_space<vmem>>) target_semaphore(%arg5 : memref<!tpu.dma_semaphore, #tpu.memory_space<semaphore_mem>>)
    %add3A_17 = arith.constant 32 : i32
    %add3A_18 = arith.addi %mul3A_2, %add3A_17 : i32
    %dma_start3A_19 = arith.constant 1 : i32
    %dma_start3A_20 = arith.constant 0 : i32
    %dma_start3A_21 = arith.constant 0 : i32
    %dma_start3A_22 = tpu.memref_slice %arg4[%dma_start3A_19, %dma_start3A_20, %dma_start3A_21] : memref<3x32x1024xf32, #tpu.memory_space<vmem>> -> memref<1x32x1024xf32, #tpu.memory_space<vmem>>
    %dma_start3A_23 = tpu.memref_squeeze %dma_start3A_22 : memref<1x32x1024xf32, #tpu.memory_space<vmem>> -> memref<32x1024xf32, #tpu.memory_space<vmem>>
    %dma_start3A_24 = arith.constant 0 : i32
    %dma_start3A_25 = tpu.memref_slice %arg2[%add3A_18, %dma_start3A_24] : memref<8192x1024xf32, #tpu.memory_space<hbm>> -> memref<32x1024xf32, #tpu.memory_space<hbm>>
    %dma_start3A_26 = arith.constant 0 : i32
    %dma_start3A_27 = arith.constant 0 : i32
    %dma_start3A_28 = tpu.memref_slice %arg4[%dma_start3A_19, %dma_start3A_26, %dma_start3A_27] : memref<3x32x1024xf32, #tpu.memory_space<vmem>> -> memref<1x32x1024xf32, #tpu.memory_space<vmem>>
    %dma_start3A_29 = tpu.memref_squeeze %dma_start3A_28 : memref<1x32x1024xf32, #tpu.memory_space<vmem>> -> memref<32x1024xf32, #tpu.memory_space<vmem>>
    %dma_start3A_30 = arith.constant 0 : i32
    %dma_start3A_31 = tpu.memref_slice %arg2[%add3A_18, %dma_start3A_30] : memref<8192x1024xf32, #tpu.memory_space<hbm>> -> memref<32x1024xf32, #tpu.memory_space<hbm>>
    tpu.enqueue_dma source(%dma_start3A_31 : memref<32x1024xf32, #tpu.memory_space<hbm>>) target(%dma_start3A_29 : memref<32x1024xf32, #tpu.memory_space<vmem>>) target_semaphore(%arg5 : memref<!tpu.dma_semaphore, #tpu.memory_space<semaphore_mem>>)
    %dma_wait3A = arith.constant 0 : i32
    %dma_wait3A_32 = arith.constant 0 : i32
    %dma_wait3A_33 = arith.constant 0 : i32
    %dma_wait3A_34 = tpu.memref_slice %arg4[%dma_wait3A, %dma_wait3A_32, %dma_wait3A_33] : memref<3x32x1024xf32, #tpu.memory_space<vmem>> -> memref<1x32x1024xf32, #tpu.memory_space<vmem>>
    %dma_wait3A_35 = tpu.memref_squeeze %dma_wait3A_34 : memref<1x32x1024xf32, #tpu.memory_space<vmem>> -> memref<32x1024xf32, #tpu.memory_space<vmem>>
    %dma_wait3A_36 = arith.constant 0 : i32
    %dma_wait3A_37 = tpu.memref_slice %arg2[%add3A_4, %dma_wait3A_36] : memref<8192x1024xf32, #tpu.memory_space<hbm>> -> memref<32x1024xf32, #tpu.memory_space<hbm>>
    %dma_wait3A_38 = arith.constant 0 : i32
    %dma_wait3A_39 = arith.constant 0 : i32
    %dma_wait3A_40 = tpu.memref_slice %arg4[%dma_wait3A, %dma_wait3A_38, %dma_wait3A_39] : memref<3x32x1024xf32, #tpu.memory_space<vmem>> -> memref<1x32x1024xf32, #tpu.memory_space<vmem>>
    %dma_wait3A_41 = tpu.memref_squeeze %dma_wait3A_40 : memref<1x32x1024xf32, #tpu.memory_space<vmem>> -> memref<32x1024xf32, #tpu.memory_space<vmem>>
    %dma_wait3A_42 = arith.constant 0 : i32
    %dma_wait3A_43 = tpu.memref_slice %arg2[%add3A_4, %dma_wait3A_42] : memref<8192x1024xf32, #tpu.memory_space<hbm>> -> memref<32x1024xf32, #tpu.memory_space<hbm>>
    tpu.wait_dma2 semaphore(%arg5 : memref<!tpu.dma_semaphore, #tpu.memory_space<semaphore_mem>>) src(%dma_wait3A_43 : memref<32x1024xf32, #tpu.memory_space<hbm>>) dst(%dma_wait3A_41 : memref<32x1024xf32, #tpu.memory_space<vmem>>)
    %add3A_44 = arith.constant 0 : i32
    %add3A_45 = arith.addi %mul3A_2, %add3A_44 : i32
    %dma_start3A_46 = arith.constant 0 : i32
    %dma_start3A_47 = arith.constant 0 : i32
    %dma_start3A_48 = arith.constant 0 : i32
    %dma_start3A_49 = arith.constant 0 : i32
    %dma_start3A_50 = tpu.memref_slice %arg4[%dma_start3A_46, %dma_start3A_48, %dma_start3A_49] : memref<3x32x1024xf32, #tpu.memory_space<vmem>> -> memref<1x32x1024xf32, #tpu.memory_space<vmem>>
    %dma_start3A_51 = tpu.memref_squeeze %dma_start3A_50 : memref<1x32x1024xf32, #tpu.memory_space<vmem>> -> memref<32x1024xf32, #tpu.memory_space<vmem>>
    %dma_start3A_52 = arith.constant 0 : i32
    %dma_start3A_53 = tpu.memref_slice %arg3[%dma_start3A_47, %add3A_45, %dma_start3A_52] : memref<4x4096x1024xf32, #tpu.memory_space<hbm>> -> memref<1x32x1024xf32, #tpu.memory_space<hbm>>
    %dma_start3A_54 = tpu.memref_squeeze %dma_start3A_53 : memref<1x32x1024xf32, #tpu.memory_space<hbm>> -> memref<32x1024xf32, #tpu.memory_space<hbm>>
    %dma_start3A_55 = arith.constant 0 : i32
    %dma_start3A_56 = tpu.memref_slice %arg3[%dma_start3A_47, %add3A_45, %dma_start3A_55] : memref<4x4096x1024xf32, #tpu.memory_space<hbm>> -> memref<1x32x1024xf32, #tpu.memory_space<hbm>>
    %dma_start3A_57 = tpu.memref_squeeze %dma_start3A_56 : memref<1x32x1024xf32, #tpu.memory_space<hbm>> -> memref<32x1024xf32, #tpu.memory_space<hbm>>
    %dma_start3A_58 = arith.constant 0 : i32
    %dma_start3A_59 = arith.constant 0 : i32
    %dma_start3A_60 = tpu.memref_slice %arg4[%dma_start3A_46, %dma_start3A_58, %dma_start3A_59] : memref<3x32x1024xf32, #tpu.memory_space<vmem>> -> memref<1x32x1024xf32, #tpu.memory_space<vmem>>
    %dma_start3A_61 = tpu.memref_squeeze %dma_start3A_60 : memref<1x32x1024xf32, #tpu.memory_space<vmem>> -> memref<32x1024xf32, #tpu.memory_space<vmem>>
    tpu.enqueue_dma source(%dma_start3A_61 : memref<32x1024xf32, #tpu.memory_space<vmem>>) target(%dma_start3A_57 : memref<32x1024xf32, #tpu.memory_space<hbm>>) target_semaphore(%arg6 : memref<!tpu.dma_semaphore, #tpu.memory_space<semaphore_mem>>)
    %dma_start3A_62 = arith.constant 0 : i32
    %dma_start3A_63 = arith.constant 1 : i32
    %dma_start3A_64 = arith.constant 0 : i32
    %dma_start3A_65 = arith.constant 0 : i32
    %dma_start3A_66 = tpu.memref_slice %arg4[%dma_start3A_62, %dma_start3A_64, %dma_start3A_65] : memref<3x32x1024xf32, #tpu.memory_space<vmem>> -> memref<1x32x1024xf32, #tpu.memory_space<vmem>>
    %dma_start3A_67 = tpu.memref_squeeze %dma_start3A_66 : memref<1x32x1024xf32, #tpu.memory_space<vmem>> -> memref<32x1024xf32, #tpu.memory_space<vmem>>
    %dma_start3A_68 = arith.constant 0 : i32
    %dma_start3A_69 = tpu.memref_slice %arg3[%dma_start3A_63, %add3A_45, %dma_start3A_68] : memref<4x4096x1024xf32, #tpu.memory_space<hbm>> -> memref<1x32x1024xf32, #tpu.memory_space<hbm>>
    %dma_start3A_70 = tpu.memref_squeeze %dma_start3A_69 : memref<1x32x1024xf32, #tpu.memory_space<hbm>> -> memref<32x1024xf32, #tpu.memory_space<hbm>>
    %dma_start3A_71 = arith.constant 0 : i32
    %dma_start3A_72 = tpu.memref_slice %arg3[%dma_start3A_63, %add3A_45, %dma_start3A_71] : memref<4x4096x1024xf32, #tpu.memory_space<hbm>> -> memref<1x32x1024xf32, #tpu.memory_space<hbm>>
    %dma_start3A_73 = tpu.memref_squeeze %dma_start3A_72 : memref<1x32x1024xf32, #tpu.memory_space<hbm>> -> memref<32x1024xf32, #tpu.memory_space<hbm>>
    %dma_start3A_74 = arith.constant 0 : i32
    %dma_start3A_75 = arith.constant 0 : i32
    %dma_start3A_76 = tpu.memref_slice %arg4[%dma_start3A_62, %dma_start3A_74, %dma_start3A_75] : memref<3x32x1024xf32, #tpu.memory_space<vmem>> -> memref<1x32x1024xf32, #tpu.memory_space<vmem>>
    %dma_start3A_77 = tpu.memref_squeeze %dma_start3A_76 : memref<1x32x1024xf32, #tpu.memory_space<vmem>> -> memref<32x1024xf32, #tpu.memory_space<vmem>>
    tpu.enqueue_dma source(%dma_start3A_77 : memref<32x1024xf32, #tpu.memory_space<vmem>>) target(%dma_start3A_73 : memref<32x1024xf32, #tpu.memory_space<hbm>>) target_semaphore(%arg6 : memref<!tpu.dma_semaphore, #tpu.memory_space<semaphore_mem>>)
    %dma_start3A_78 = arith.constant 0 : i32
    %dma_start3A_79 = arith.constant 2 : i32
    %dma_start3A_80 = arith.constant 0 : i32
    %dma_start3A_81 = arith.constant 0 : i32
    %dma_start3A_82 = tpu.memref_slice %arg4[%dma_start3A_78, %dma_start3A_80, %dma_start3A_81] : memref<3x32x1024xf32, #tpu.memory_space<vmem>> -> memref<1x32x1024xf32, #tpu.memory_space<vmem>>
    %dma_start3A_83 = tpu.memref_squeeze %dma_start3A_82 : memref<1x32x1024xf32, #tpu.memory_space<vmem>> -> memref<32x1024xf32, #tpu.memory_space<vmem>>
    %dma_start3A_84 = arith.constant 0 : i32
    %dma_start3A_85 = tpu.memref_slice %arg3[%dma_start3A_79, %add3A_45, %dma_start3A_84] : memref<4x4096x1024xf32, #tpu.memory_space<hbm>> -> memref<1x32x1024xf32, #tpu.memory_space<hbm>>
    %dma_start3A_86 = tpu.memref_squeeze %dma_start3A_85 : memref<1x32x1024xf32, #tpu.memory_space<hbm>> -> memref<32x1024xf32, #tpu.memory_space<hbm>>
    %dma_start3A_87 = arith.constant 0 : i32
    %dma_start3A_88 = tpu.memref_slice %arg3[%dma_start3A_79, %add3A_45, %dma_start3A_87] : memref<4x4096x1024xf32, #tpu.memory_space<hbm>> -> memref<1x32x1024xf32, #tpu.memory_space<hbm>>
    %dma_start3A_89 = tpu.memref_squeeze %dma_start3A_88 : memref<1x32x1024xf32, #tpu.memory_space<hbm>> -> memref<32x1024xf32, #tpu.memory_space<hbm>>
    %dma_start3A_90 = arith.constant 0 : i32
    %dma_start3A_91 = arith.constant 0 : i32
    %dma_start3A_92 = tpu.memref_slice %arg4[%dma_start3A_78, %dma_start3A_90, %dma_start3A_91] : memref<3x32x1024xf32, #tpu.memory_space<vmem>> -> memref<1x32x1024xf32, #tpu.memory_space<vmem>>
    %dma_start3A_93 = tpu.memref_squeeze %dma_start3A_92 : memref<1x32x1024xf32, #tpu.memory_space<vmem>> -> memref<32x1024xf32, #tpu.memory_space<vmem>>
    tpu.enqueue_dma source(%dma_start3A_93 : memref<32x1024xf32, #tpu.memory_space<vmem>>) target(%dma_start3A_89 : memref<32x1024xf32, #tpu.memory_space<hbm>>) target_semaphore(%arg6 : memref<!tpu.dma_semaphore, #tpu.memory_space<semaphore_mem>>)
    %dma_start3A_94 = arith.constant 0 : i32
    %dma_start3A_95 = arith.constant 3 : i32
    %dma_start3A_96 = arith.constant 0 : i32
    %dma_start3A_97 = arith.constant 0 : i32
    %dma_start3A_98 = tpu.memref_slice %arg4[%dma_start3A_94, %dma_start3A_96, %dma_start3A_97] : memref<3x32x1024xf32, #tpu.memory_space<vmem>> -> memref<1x32x1024xf32, #tpu.memory_space<vmem>>
    %dma_start3A_99 = tpu.memref_squeeze %dma_start3A_98 : memref<1x32x1024xf32, #tpu.memory_space<vmem>> -> memref<32x1024xf32, #tpu.memory_space<vmem>>
    %dma_start3A_100 = arith.constant 0 : i32
    %dma_start3A_101 = tpu.memref_slice %arg3[%dma_start3A_95, %add3A_45, %dma_start3A_100] : memref<4x4096x1024xf32, #tpu.memory_space<hbm>> -> memref<1x32x1024xf32, #tpu.memory_space<hbm>>
    %dma_start3A_102 = tpu.memref_squeeze %dma_start3A_101 : memref<1x32x1024xf32, #tpu.memory_space<hbm>> -> memref<32x1024xf32, #tpu.memory_space<hbm>>
    %dma_start3A_103 = arith.constant 0 : i32
    %dma_start3A_104 = tpu.memref_slice %arg3[%dma_start3A_95, %add3A_45, %dma_start3A_103] : memref<4x4096x1024xf32, #tpu.memory_space<hbm>> -> memref<1x32x1024xf32, #tpu.memory_space<hbm>>
    %dma_start3A_105 = tpu.memref_squeeze %dma_start3A_104 : memref<1x32x1024xf32, #tpu.memory_space<hbm>> -> memref<32x1024xf32, #tpu.memory_space<hbm>>
    %dma_start3A_106 = arith.constant 0 : i32
    %dma_start3A_107 = arith.constant 0 : i32
    %dma_start3A_108 = tpu.memref_slice %arg4[%dma_start3A_94, %dma_start3A_106, %dma_start3A_107] : memref<3x32x1024xf32, #tpu.memory_space<vmem>> -> memref<1x32x1024xf32, #tpu.memory_space<vmem>>
    %dma_start3A_109 = tpu.memref_squeeze %dma_start3A_108 : memref<1x32x1024xf32, #tpu.memory_space<vmem>> -> memref<32x1024xf32, #tpu.memory_space<vmem>>
    tpu.enqueue_dma source(%dma_start3A_109 : memref<32x1024xf32, #tpu.memory_space<vmem>>) target(%dma_start3A_105 : memref<32x1024xf32, #tpu.memory_space<hbm>>) target_semaphore(%arg6 : memref<!tpu.dma_semaphore, #tpu.memory_space<semaphore_mem>>)
    %add3A_110 = arith.constant 64 : i32
    %add3A_111 = arith.addi %mul3A_2, %add3A_110 : i32
    %dma_start3A_112 = arith.constant 2 : i32
    %dma_start3A_113 = arith.constant 0 : i32
    %dma_start3A_114 = arith.constant 0 : i32
    %dma_start3A_115 = tpu.memref_slice %arg4[%dma_start3A_112, %dma_start3A_113, %dma_start3A_114] : memref<3x32x1024xf32, #tpu.memory_space<vmem>> -> memref<1x32x1024xf32, #tpu.memory_space<vmem>>
    %dma_start3A_116 = tpu.memref_squeeze %dma_start3A_115 : memref<1x32x1024xf32, #tpu.memory_space<vmem>> -> memref<32x1024xf32, #tpu.memory_space<vmem>>
    %dma_start3A_117 = arith.constant 0 : i32
    %dma_start3A_118 = tpu.memref_slice %arg2[%add3A_111, %dma_start3A_117] : memref<8192x1024xf32, #tpu.memory_space<hbm>> -> memref<32x1024xf32, #tpu.memory_space<hbm>>
    %dma_start3A_119 = arith.constant 0 : i32
    %dma_start3A_120 = arith.constant 0 : i32
    %dma_start3A_121 = tpu.memref_slice %arg4[%dma_start3A_112, %dma_start3A_119, %dma_start3A_120] : memref<3x32x1024xf32, #tpu.memory_space<vmem>> -> memref<1x32x1024xf32, #tpu.memory_space<vmem>>
    %dma_start3A_122 = tpu.memref_squeeze %dma_start3A_121 : memref<1x32x1024xf32, #tpu.memory_space<vmem>> -> memref<32x1024xf32, #tpu.memory_space<vmem>>
    %dma_start3A_123 = arith.constant 0 : i32
    %dma_start3A_124 = tpu.memref_slice %arg2[%add3A_111, %dma_start3A_123] : memref<8192x1024xf32, #tpu.memory_space<hbm>> -> memref<32x1024xf32, #tpu.memory_space<hbm>>
    tpu.enqueue_dma source(%dma_start3A_124 : memref<32x1024xf32, #tpu.memory_space<hbm>>) target(%dma_start3A_122 : memref<32x1024xf32, #tpu.memory_space<vmem>>) target_semaphore(%arg5 : memref<!tpu.dma_semaphore, #tpu.memory_space<semaphore_mem>>)
    %dma_wait3A_125 = arith.constant 1 : i32
    %dma_wait3A_126 = arith.constant 0 : i32
    %dma_wait3A_127 = arith.constant 0 : i32
    %dma_wait3A_128 = tpu.memref_slice %arg4[%dma_wait3A_125, %dma_wait3A_126, %dma_wait3A_127] : memref<3x32x1024xf32, #tpu.memory_space<vmem>> -> memref<1x32x1024xf32, #tpu.memory_space<vmem>>
    %dma_wait3A_129 = tpu.memref_squeeze %dma_wait3A_128 : memref<1x32x1024xf32, #tpu.memory_space<vmem>> -> memref<32x1024xf32, #tpu.memory_space<vmem>>
    %dma_wait3A_130 = arith.constant 0 : i32
    %dma_wait3A_131 = tpu.memref_slice %arg2[%add3A_18, %dma_wait3A_130] : memref<8192x1024xf32, #tpu.memory_space<hbm>> -> memref<32x1024xf32, #tpu.memory_space<hbm>>
    %dma_wait3A_132 = arith.constant 0 : i32
    %dma_wait3A_133 = arith.constant 0 : i32
    %dma_wait3A_134 = tpu.memref_slice %arg4[%dma_wait3A_125, %dma_wait3A_132, %dma_wait3A_133] : memref<3x32x1024xf32, #tpu.memory_space<vmem>> -> memref<1x32x1024xf32, #tpu.memory_space<vmem>>
    %dma_wait3A_135 = tpu.memref_squeeze %dma_wait3A_134 : memref<1x32x1024xf32, #tpu.memory_space<vmem>> -> memref<32x1024xf32, #tpu.memory_space<vmem>>
    %dma_wait3A_136 = arith.constant 0 : i32
    %dma_wait3A_137 = tpu.memref_slice %arg2[%add3A_18, %dma_wait3A_136] : memref<8192x1024xf32, #tpu.memory_space<hbm>> -> memref<32x1024xf32, #tpu.memory_space<hbm>>
    tpu.wait_dma2 semaphore(%arg5 : memref<!tpu.dma_semaphore, #tpu.memory_space<semaphore_mem>>) src(%dma_wait3A_137 : memref<32x1024xf32, #tpu.memory_space<hbm>>) dst(%dma_wait3A_135 : memref<32x1024xf32, #tpu.memory_space<vmem>>)
    %add3A_138 = arith.constant 32 : i32
    %add3A_139 = arith.addi %mul3A_2, %add3A_138 : i32
    %dma_start3A_140 = arith.constant 1 : i32
    %dma_start3A_141 = arith.constant 0 : i32
    %dma_start3A_142 = arith.constant 0 : i32
    %dma_start3A_143 = arith.constant 0 : i32
    %dma_start3A_144 = tpu.memref_slice %arg4[%dma_start3A_140, %dma_start3A_142, %dma_start3A_143] : memref<3x32x1024xf32, #tpu.memory_space<vmem>> -> memref<1x32x1024xf32, #tpu.memory_space<vmem>>
    %dma_start3A_145 = tpu.memref_squeeze %dma_start3A_144 : memref<1x32x1024xf32, #tpu.memory_space<vmem>> -> memref<32x1024xf32, #tpu.memory_space<vmem>>
    %dma_start3A_146 = arith.constant 0 : i32
    %dma_start3A_147 = tpu.memref_slice %arg3[%dma_start3A_141, %add3A_139, %dma_start3A_146] : memref<4x4096x1024xf32, #tpu.memory_space<hbm>> -> memref<1x32x1024xf32, #tpu.memory_space<hbm>>
    %dma_start3A_148 = tpu.memref_squeeze %dma_start3A_147 : memref<1x32x1024xf32, #tpu.memory_space<hbm>> -> memref<32x1024xf32, #tpu.memory_space<hbm>>
    %dma_start3A_149 = arith.constant 0 : i32
    %dma_start3A_150 = tpu.memref_slice %arg3[%dma_start3A_141, %add3A_139, %dma_start3A_149] : memref<4x4096x1024xf32, #tpu.memory_space<hbm>> -> memref<1x32x1024xf32, #tpu.memory_space<hbm>>
    %dma_start3A_151 = tpu.memref_squeeze %dma_start3A_150 : memref<1x32x1024xf32, #tpu.memory_space<hbm>> -> memref<32x1024xf32, #tpu.memory_space<hbm>>
    %dma_start3A_152 = arith.constant 0 : i32
    %dma_start3A_153 = arith.constant 0 : i32
    %dma_start3A_154 = tpu.memref_slice %arg4[%dma_start3A_140, %dma_start3A_152, %dma_start3A_153] : memref<3x32x1024xf32, #tpu.memory_space<vmem>> -> memref<1x32x1024xf32, #tpu.memory_space<vmem>>
    %dma_start3A_155 = tpu.memref_squeeze %dma_start3A_154 : memref<1x32x1024xf32, #tpu.memory_space<vmem>> -> memref<32x1024xf32, #tpu.memory_space<vmem>>
    tpu.enqueue_dma source(%dma_start3A_155 : memref<32x1024xf32, #tpu.memory_space<vmem>>) target(%dma_start3A_151 : memref<32x1024xf32, #tpu.memory_space<hbm>>) target_semaphore(%arg6 : memref<!tpu.dma_semaphore, #tpu.memory_space<semaphore_mem>>)
    %dma_start3A_156 = arith.constant 1 : i32
    %dma_start3A_157 = arith.constant 1 : i32
    %dma_start3A_158 = arith.constant 0 : i32
    %dma_start3A_159 = arith.constant 0 : i32
    %dma_start3A_160 = tpu.memref_slice %arg4[%dma_start3A_156, %dma_start3A_158, %dma_start3A_159] : memref<3x32x1024xf32, #tpu.memory_space<vmem>> -> memref<1x32x1024xf32, #tpu.memory_space<vmem>>
    %dma_start3A_161 = tpu.memref_squeeze %dma_start3A_160 : memref<1x32x1024xf32, #tpu.memory_space<vmem>> -> memref<32x1024xf32, #tpu.memory_space<vmem>>
    %dma_start3A_162 = arith.constant 0 : i32
    %dma_start3A_163 = tpu.memref_slice %arg3[%dma_start3A_157, %add3A_139, %dma_start3A_162] : memref<4x4096x1024xf32, #tpu.memory_space<hbm>> -> memref<1x32x1024xf32, #tpu.memory_space<hbm>>
    %dma_start3A_164 = tpu.memref_squeeze %dma_start3A_163 : memref<1x32x1024xf32, #tpu.memory_space<hbm>> -> memref<32x1024xf32, #tpu.memory_space<hbm>>
    %dma_start3A_165 = arith.constant 0 : i32
    %dma_start3A_166 = tpu.memref_slice %arg3[%dma_start3A_157, %add3A_139, %dma_start3A_165] : memref<4x4096x1024xf32, #tpu.memory_space<hbm>> -> memref<1x32x1024xf32, #tpu.memory_space<hbm>>
    %dma_start3A_167 = tpu.memref_squeeze %dma_start3A_166 : memref<1x32x1024xf32, #tpu.memory_space<hbm>> -> memref<32x1024xf32, #tpu.memory_space<hbm>>
    %dma_start3A_168 = arith.constant 0 : i32
    %dma_start3A_169 = arith.constant 0 : i32
    %dma_start3A_170 = tpu.memref_slice %arg4[%dma_start3A_156, %dma_start3A_168, %dma_start3A_169] : memref<3x32x1024xf32, #tpu.memory_space<vmem>> -> memref<1x32x1024xf32, #tpu.memory_space<vmem>>
    %dma_start3A_171 = tpu.memref_squeeze %dma_start3A_170 : memref<1x32x1024xf32, #tpu.memory_space<vmem>> -> memref<32x1024xf32, #tpu.memory_space<vmem>>
    tpu.enqueue_dma source(%dma_start3A_171 : memref<32x1024xf32, #tpu.memory_space<vmem>>) target(%dma_start3A_167 : memref<32x1024xf32, #tpu.memory_space<hbm>>) target_semaphore(%arg6 : memref<!tpu.dma_semaphore, #tpu.memory_space<semaphore_mem>>)
    %dma_start3A_172 = arith.constant 1 : i32
    %dma_start3A_173 = arith.constant 2 : i32
    %dma_start3A_174 = arith.constant 0 : i32
    %dma_start3A_175 = arith.constant 0 : i32
    %dma_start3A_176 = tpu.memref_slice %arg4[%dma_start3A_172, %dma_start3A_174, %dma_start3A_175] : memref<3x32x1024xf32, #tpu.memory_space<vmem>> -> memref<1x32x1024xf32, #tpu.memory_space<vmem>>
    %dma_start3A_177 = tpu.memref_squeeze %dma_start3A_176 : memref<1x32x1024xf32, #tpu.memory_space<vmem>> -> memref<32x1024xf32, #tpu.memory_space<vmem>>
    %dma_start3A_178 = arith.constant 0 : i32
    %dma_start3A_179 = tpu.memref_slice %arg3[%dma_start3A_173, %add3A_139, %dma_start3A_178] : memref<4x4096x1024xf32, #tpu.memory_space<hbm>> -> memref<1x32x1024xf32, #tpu.memory_space<hbm>>
    %dma_start3A_180 = tpu.memref_squeeze %dma_start3A_179 : memref<1x32x1024xf32, #tpu.memory_space<hbm>> -> memref<32x1024xf32, #tpu.memory_space<hbm>>
    %dma_start3A_181 = arith.constant 0 : i32
    %dma_start3A_182 = tpu.memref_slice %arg3[%dma_start3A_173, %add3A_139, %dma_start3A_181] : memref<4x4096x1024xf32, #tpu.memory_space<hbm>> -> memref<1x32x1024xf32, #tpu.memory_space<hbm>>
    %dma_start3A_183 = tpu.memref_squeeze %dma_start3A_182 : memref<1x32x1024xf32, #tpu.memory_space<hbm>> -> memref<32x1024xf32, #tpu.memory_space<hbm>>
    %dma_start3A_184 = arith.constant 0 : i32
    %dma_start3A_185 = arith.constant 0 : i32
    %dma_start3A_186 = tpu.memref_slice %arg4[%dma_start3A_172, %dma_start3A_184, %dma_start3A_185] : memref<3x32x1024xf32, #tpu.memory_space<vmem>> -> memref<1x32x1024xf32, #tpu.memory_space<vmem>>
    %dma_start3A_187 = tpu.memref_squeeze %dma_start3A_186 : memref<1x32x1024xf32, #tpu.memory_space<vmem>> -> memref<32x1024xf32, #tpu.memory_space<vmem>>
    tpu.enqueue_dma source(%dma_start3A_187 : memref<32x1024xf32, #tpu.memory_space<vmem>>) target(%dma_start3A_183 : memref<32x1024xf32, #tpu.memory_space<hbm>>) target_semaphore(%arg6 : memref<!tpu.dma_semaphore, #tpu.memory_space<semaphore_mem>>)
    %dma_start3A_188 = arith.constant 1 : i32
    %dma_start3A_189 = arith.constant 3 : i32
    %dma_start3A_190 = arith.constant 0 : i32
    %dma_start3A_191 = arith.constant 0 : i32
    %dma_start3A_192 = tpu.memref_slice %arg4[%dma_start3A_188, %dma_start3A_190, %dma_start3A_191] : memref<3x32x1024xf32, #tpu.memory_space<vmem>> -> memref<1x32x1024xf32, #tpu.memory_space<vmem>>
    %dma_start3A_193 = tpu.memref_squeeze %dma_start3A_192 : memref<1x32x1024xf32, #tpu.memory_space<vmem>> -> memref<32x1024xf32, #tpu.memory_space<vmem>>
    %dma_start3A_194 = arith.constant 0 : i32
    %dma_start3A_195 = tpu.memref_slice %arg3[%dma_start3A_189, %add3A_139, %dma_start3A_194] : memref<4x4096x1024xf32, #tpu.memory_space<hbm>> -> memref<1x32x1024xf32, #tpu.memory_space<hbm>>
    %dma_start3A_196 = tpu.memref_squeeze %dma_start3A_195 : memref<1x32x1024xf32, #tpu.memory_space<hbm>> -> memref<32x1024xf32, #tpu.memory_space<hbm>>
    %dma_start3A_197 = arith.constant 0 : i32
    %dma_start3A_198 = tpu.memref_slice %arg3[%dma_start3A_189, %add3A_139, %dma_start3A_197] : memref<4x4096x1024xf32, #tpu.memory_space<hbm>> -> memref<1x32x1024xf32, #tpu.memory_space<hbm>>
    %dma_start3A_199 = tpu.memref_squeeze %dma_start3A_198 : memref<1x32x1024xf32, #tpu.memory_space<hbm>> -> memref<32x1024xf32, #tpu.memory_space<hbm>>
    %dma_start3A_200 = arith.constant 0 : i32
    %dma_start3A_201 = arith.constant 0 : i32
    %dma_start3A_202 = tpu.memref_slice %arg4[%dma_start3A_188, %dma_start3A_200, %dma_start3A_201] : memref<3x32x1024xf32, #tpu.memory_space<vmem>> -> memref<1x32x1024xf32, #tpu.memory_space<vmem>>
    %dma_start3A_203 = tpu.memref_squeeze %dma_start3A_202 : memref<1x32x1024xf32, #tpu.memory_space<vmem>> -> memref<32x1024xf32, #tpu.memory_space<vmem>>
    tpu.enqueue_dma source(%dma_start3A_203 : memref<32x1024xf32, #tpu.memory_space<vmem>>) target(%dma_start3A_199 : memref<32x1024xf32, #tpu.memory_space<hbm>>) target_semaphore(%arg6 : memref<!tpu.dma_semaphore, #tpu.memory_space<semaphore_mem>>)
    %dma_wait3A_204 = arith.constant 0 : i32
    %dma_wait3A_205 = arith.constant 0 : i32
    %dma_wait3A_206 = arith.constant 0 : i32
    %dma_wait3A_207 = arith.constant 0 : i32
    %dma_wait3A_208 = tpu.memref_slice %arg4[%dma_wait3A_204, %dma_wait3A_206, %dma_wait3A_207] : memref<3x32x1024xf32, #tpu.memory_space<vmem>> -> memref<1x32x1024xf32, #tpu.memory_space<vmem>>
    %dma_wait3A_209 = tpu.memref_squeeze %dma_wait3A_208 : memref<1x32x1024xf32, #tpu.memory_space<vmem>> -> memref<32x1024xf32, #tpu.memory_space<vmem>>
    %dma_wait3A_210 = arith.constant 0 : i32
    %dma_wait3A_211 = tpu.memref_slice %arg3[%dma_wait3A_205, %add3A_45, %dma_wait3A_210] : memref<4x4096x1024xf32, #tpu.memory_space<hbm>> -> memref<1x32x1024xf32, #tpu.memory_space<hbm>>
    %dma_wait3A_212 = tpu.memref_squeeze %dma_wait3A_211 : memref<1x32x1024xf32, #tpu.memory_space<hbm>> -> memref<32x1024xf32, #tpu.memory_space<hbm>>
    %dma_wait3A_213 = arith.constant 0 : i32
    %dma_wait3A_214 = tpu.memref_slice %arg3[%dma_wait3A_205, %add3A_45, %dma_wait3A_213] : memref<4x4096x1024xf32, #tpu.memory_space<hbm>> -> memref<1x32x1024xf32, #tpu.memory_space<hbm>>
    %dma_wait3A_215 = tpu.memref_squeeze %dma_wait3A_214 : memref<1x32x1024xf32, #tpu.memory_space<hbm>> -> memref<32x1024xf32, #tpu.memory_space<hbm>>
    %dma_wait3A_216 = arith.constant 0 : i32
    %dma_wait3A_217 = arith.constant 0 : i32
    %dma_wait3A_218 = tpu.memref_slice %arg4[%dma_wait3A_204, %dma_wait3A_216, %dma_wait3A_217] : memref<3x32x1024xf32, #tpu.memory_space<vmem>> -> memref<1x32x1024xf32, #tpu.memory_space<vmem>>
    %dma_wait3A_219 = tpu.memref_squeeze %dma_wait3A_218 : memref<1x32x1024xf32, #tpu.memory_space<vmem>> -> memref<32x1024xf32, #tpu.memory_space<vmem>>
    tpu.wait_dma2 semaphore(%arg6 : memref<!tpu.dma_semaphore, #tpu.memory_space<semaphore_mem>>) src(%dma_wait3A_219 : memref<32x1024xf32, #tpu.memory_space<vmem>>) dst(%dma_wait3A_215 : memref<32x1024xf32, #tpu.memory_space<hbm>>)
    %dma_wait3A_220 = arith.constant 0 : i32
    %dma_wait3A_221 = arith.constant 1 : i32
    %dma_wait3A_222 = arith.constant 0 : i32
    %dma_wait3A_223 = arith.constant 0 : i32
    %dma_wait3A_224 = tpu.memref_slice %arg4[%dma_wait3A_220, %dma_wait3A_222, %dma_wait3A_223] : memref<3x32x1024xf32, #tpu.memory_space<vmem>> -> memref<1x32x1024xf32, #tpu.memory_space<vmem>>
    %dma_wait3A_225 = tpu.memref_squeeze %dma_wait3A_224 : memref<1x32x1024xf32, #tpu.memory_space<vmem>> -> memref<32x1024xf32, #tpu.memory_space<vmem>>
    %dma_wait3A_226 = arith.constant 0 : i32
    %dma_wait3A_227 = tpu.memref_slice %arg3[%dma_wait3A_221, %add3A_45, %dma_wait3A_226] : memref<4x4096x1024xf32, #tpu.memory_space<hbm>> -> memref<1x32x1024xf32, #tpu.memory_space<hbm>>
    %dma_wait3A_228 = tpu.memref_squeeze %dma_wait3A_227 : memref<1x32x1024xf32, #tpu.memory_space<hbm>> -> memref<32x1024xf32, #tpu.memory_space<hbm>>
    %dma_wait3A_229 = arith.constant 0 : i32
    %dma_wait3A_230 = tpu.memref_slice %arg3[%dma_wait3A_221, %add3A_45, %dma_wait3A_229] : memref<4x4096x1024xf32, #tpu.memory_space<hbm>> -> memref<1x32x1024xf32, #tpu.memory_space<hbm>>
    %dma_wait3A_231 = tpu.memref_squeeze %dma_wait3A_230 : memref<1x32x1024xf32, #tpu.memory_space<hbm>> -> memref<32x1024xf32, #tpu.memory_space<hbm>>
    %dma_wait3A_232 = arith.constant 0 : i32
    %dma_wait3A_233 = arith.constant 0 : i32
    %dma_wait3A_234 = tpu.memref_slice %arg4[%dma_wait3A_220, %dma_wait3A_232, %dma_wait3A_233] : memref<3x32x1024xf32, #tpu.memory_space<vmem>> -> memref<1x32x1024xf32, #tpu.memory_space<vmem>>
    %dma_wait3A_235 = tpu.memref_squeeze %dma_wait3A_234 : memref<1x32x1024xf32, #tpu.memory_space<vmem>> -> memref<32x1024xf32, #tpu.memory_space<vmem>>
    tpu.wait_dma2 semaphore(%arg6 : memref<!tpu.dma_semaphore, #tpu.memory_space<semaphore_mem>>) src(%dma_wait3A_235 : memref<32x1024xf32, #tpu.memory_space<vmem>>) dst(%dma_wait3A_231 : memref<32x1024xf32, #tpu.memory_space<hbm>>)
    %dma_wait3A_236 = arith.constant 0 : i32
    %dma_wait3A_237 = arith.constant 2 : i32
    %dma_wait3A_238 = arith.constant 0 : i32
    %dma_wait3A_239 = arith.constant 0 : i32
    %dma_wait3A_240 = tpu.memref_slice %arg4[%dma_wait3A_236, %dma_wait3A_238, %dma_wait3A_239] : memref<3x32x1024xf32, #tpu.memory_space<vmem>> -> memref<1x32x1024xf32, #tpu.memory_space<vmem>>
    %dma_wait3A_241 = tpu.memref_squeeze %dma_wait3A_240 : memref<1x32x1024xf32, #tpu.memory_space<vmem>> -> memref<32x1024xf32, #tpu.memory_space<vmem>>
    %dma_wait3A_242 = arith.constant 0 : i32
    %dma_wait3A_243 = tpu.memref_slice %arg3[%dma_wait3A_237, %add3A_45, %dma_wait3A_242] : memref<4x4096x1024xf32, #tpu.memory_space<hbm>> -> memref<1x32x1024xf32, #tpu.memory_space<hbm>>
    %dma_wait3A_244 = tpu.memref_squeeze %dma_wait3A_243 : memref<1x32x1024xf32, #tpu.memory_space<hbm>> -> memref<32x1024xf32, #tpu.memory_space<hbm>>
    %dma_wait3A_245 = arith.constant 0 : i32
    %dma_wait3A_246 = tpu.memref_slice %arg3[%dma_wait3A_237, %add3A_45, %dma_wait3A_245] : memref<4x4096x1024xf32, #tpu.memory_space<hbm>> -> memref<1x32x1024xf32, #tpu.memory_space<hbm>>
    %dma_wait3A_247 = tpu.memref_squeeze %dma_wait3A_246 : memref<1x32x1024xf32, #tpu.memory_space<hbm>> -> memref<32x1024xf32, #tpu.memory_space<hbm>>
    %dma_wait3A_248 = arith.constant 0 : i32
    %dma_wait3A_249 = arith.constant 0 : i32
    %dma_wait3A_250 = tpu.memref_slice %arg4[%dma_wait3A_236, %dma_wait3A_248, %dma_wait3A_249] : memref<3x32x1024xf32, #tpu.memory_space<vmem>> -> memref<1x32x1024xf32, #tpu.memory_space<vmem>>
    %dma_wait3A_251 = tpu.memref_squeeze %dma_wait3A_250 : memref<1x32x1024xf32, #tpu.memory_space<vmem>> -> memref<32x1024xf32, #tpu.memory_space<vmem>>
    tpu.wait_dma2 semaphore(%arg6 : memref<!tpu.dma_semaphore, #tpu.memory_space<semaphore_mem>>) src(%dma_wait3A_251 : memref<32x1024xf32, #tpu.memory_space<vmem>>) dst(%dma_wait3A_247 : memref<32x1024xf32, #tpu.memory_space<hbm>>)
    %dma_wait3A_252 = arith.constant 0 : i32
    %dma_wait3A_253 = arith.constant 3 : i32
    %dma_wait3A_254 = arith.constant 0 : i32
    %dma_wait3A_255 = arith.constant 0 : i32
    %dma_wait3A_256 = tpu.memref_slice %arg4[%dma_wait3A_252, %dma_wait3A_254, %dma_wait3A_255] : memref<3x32x1024xf32, #tpu.memory_space<vmem>> -> memref<1x32x1024xf32, #tpu.memory_space<vmem>>
    %dma_wait3A_257 = tpu.memref_squeeze %dma_wait3A_256 : memref<1x32x1024xf32, #tpu.memory_space<vmem>> -> memref<32x1024xf32, #tpu.memory_space<vmem>>
    %dma_wait3A_258 = arith.constant 0 : i32
    %dma_wait3A_259 = tpu.memref_slice %arg3[%dma_wait3A_253, %add3A_45, %dma_wait3A_258] : memref<4x4096x1024xf32, #tpu.memory_space<hbm>> -> memref<1x32x1024xf32, #tpu.memory_space<hbm>>
    %dma_wait3A_260 = tpu.memref_squeeze %dma_wait3A_259 : memref<1x32x1024xf32, #tpu.memory_space<hbm>> -> memref<32x1024xf32, #tpu.memory_space<hbm>>
    %dma_wait3A_261 = arith.constant 0 : i32
    %dma_wait3A_262 = tpu.memref_slice %arg3[%dma_wait3A_253, %add3A_45, %dma_wait3A_261] : memref<4x4096x1024xf32, #tpu.memory_space<hbm>> -> memref<1x32x1024xf32, #tpu.memory_space<hbm>>
    %dma_wait3A_263 = tpu.memref_squeeze %dma_wait3A_262 : memref<1x32x1024xf32, #tpu.memory_space<hbm>> -> memref<32x1024xf32, #tpu.memory_space<hbm>>
    %dma_wait3A_264 = arith.constant 0 : i32
    %dma_wait3A_265 = arith.constant 0 : i32
    %dma_wait3A_266 = tpu.memref_slice %arg4[%dma_wait3A_252, %dma_wait3A_264, %dma_wait3A_265] : memref<3x32x1024xf32, #tpu.memory_space<vmem>> -> memref<1x32x1024xf32, #tpu.memory_space<vmem>>
    %dma_wait3A_267 = tpu.memref_squeeze %dma_wait3A_266 : memref<1x32x1024xf32, #tpu.memory_space<vmem>> -> memref<32x1024xf32, #tpu.memory_space<vmem>>
    tpu.wait_dma2 semaphore(%arg6 : memref<!tpu.dma_semaphore, #tpu.memory_space<semaphore_mem>>) src(%dma_wait3A_267 : memref<32x1024xf32, #tpu.memory_space<vmem>>) dst(%dma_wait3A_263 : memref<32x1024xf32, #tpu.memory_space<hbm>>)
    %add3A_268 = arith.constant 96 : i32
    %add3A_269 = arith.addi %mul3A_2, %add3A_268 : i32
    %dma_start3A_270 = arith.constant 0 : i32
    %dma_start3A_271 = arith.constant 0 : i32
    %dma_start3A_272 = arith.constant 0 : i32
    %dma_start3A_273 = tpu.memref_slice %arg4[%dma_start3A_270, %dma_start3A_271, %dma_start3A_272] : memref<3x32x1024xf32, #tpu.memory_space<vmem>> -> memref<1x32x1024xf32, #tpu.memory_space<vmem>>
    %dma_start3A_274 = tpu.memref_squeeze %dma_start3A_273 : memref<1x32x1024xf32, #tpu.memory_space<vmem>> -> memref<32x1024xf32, #tpu.memory_space<vmem>>
    %dma_start3A_275 = arith.constant 0 : i32
    %dma_start3A_276 = tpu.memref_slice %arg2[%add3A_269, %dma_start3A_275] : memref<8192x1024xf32, #tpu.memory_space<hbm>> -> memref<32x1024xf32, #tpu.memory_space<hbm>>
    %dma_start3A_277 = arith.constant 0 : i32
    %dma_start3A_278 = arith.constant 0 : i32
    %dma_start3A_279 = tpu.memref_slice %arg4[%dma_start3A_270, %dma_start3A_277, %dma_start3A_278] : memref<3x32x1024xf32, #tpu.memory_space<vmem>> -> memref<1x32x1024xf32, #tpu.memory_space<vmem>>
    %dma_start3A_280 = tpu.memref_squeeze %dma_start3A_279 : memref<1x32x1024xf32, #tpu.memory_space<vmem>> -> memref<32x1024xf32, #tpu.memory_space<vmem>>
    %dma_start3A_281 = arith.constant 0 : i32
    %dma_start3A_282 = tpu.memref_slice %arg2[%add3A_269, %dma_start3A_281] : memref<8192x1024xf32, #tpu.memory_space<hbm>> -> memref<32x1024xf32, #tpu.memory_space<hbm>>
    tpu.enqueue_dma source(%dma_start3A_282 : memref<32x1024xf32, #tpu.memory_space<hbm>>) target(%dma_start3A_280 : memref<32x1024xf32, #tpu.memory_space<vmem>>) target_semaphore(%arg5 : memref<!tpu.dma_semaphore, #tpu.memory_space<semaphore_mem>>)
    %dma_wait3A_283 = arith.constant 2 : i32
    %dma_wait3A_284 = arith.constant 0 : i32
    %dma_wait3A_285 = arith.constant 0 : i32
    %dma_wait3A_286 = tpu.memref_slice %arg4[%dma_wait3A_283, %dma_wait3A_284, %dma_wait3A_285] : memref<3x32x1024xf32, #tpu.memory_space<vmem>> -> memref<1x32x1024xf32, #tpu.memory_space<vmem>>
    %dma_wait3A_287 = tpu.memref_squeeze %dma_wait3A_286 : memref<1x32x1024xf32, #tpu.memory_space<vmem>> -> memref<32x1024xf32, #tpu.memory_space<vmem>>
    %dma_wait3A_288 = arith.constant 0 : i32
    %dma_wait3A_289 = tpu.memref_slice %arg2[%add3A_111, %dma_wait3A_288] : memref<8192x1024xf32, #tpu.memory_space<hbm>> -> memref<32x1024xf32, #tpu.memory_space<hbm>>
    %dma_wait3A_290 = arith.constant 0 : i32
    %dma_wait3A_291 = arith.constant 0 : i32
    %dma_wait3A_292 = tpu.memref_slice %arg4[%dma_wait3A_283, %dma_wait3A_290, %dma_wait3A_291] : memref<3x32x1024xf32, #tpu.memory_space<vmem>> -> memref<1x32x1024xf32, #tpu.memory_space<vmem>>
    %dma_wait3A_293 = tpu.memref_squeeze %dma_wait3A_292 : memref<1x32x1024xf32, #tpu.memory_space<vmem>> -> memref<32x1024xf32, #tpu.memory_space<vmem>>
    %dma_wait3A_294 = arith.constant 0 : i32
    %dma_wait3A_295 = tpu.memref_slice %arg2[%add3A_111, %dma_wait3A_294] : memref<8192x1024xf32, #tpu.memory_space<hbm>> -> memref<32x1024xf32, #tpu.memory_space<hbm>>
    tpu.wait_dma2 semaphore(%arg5 : memref<!tpu.dma_semaphore, #tpu.memory_space<semaphore_mem>>) src(%dma_wait3A_295 : memref<32x1024xf32, #tpu.memory_space<hbm>>) dst(%dma_wait3A_293 : memref<32x1024xf32, #tpu.memory_space<vmem>>)
    %add3A_296 = arith.constant 64 : i32
    %add3A_297 = arith.addi %mul3A_2, %add3A_296 : i32
    %dma_start3A_298 = arith.constant 2 : i32
    %dma_start3A_299 = arith.constant 0 : i32
    %dma_start3A_300 = arith.constant 0 : i32
    %dma_start3A_301 = arith.constant 0 : i32
    %dma_start3A_302 = tpu.memref_slice %arg4[%dma_start3A_298, %dma_start3A_300, %dma_start3A_301] : memref<3x32x1024xf32, #tpu.memory_space<vmem>> -> memref<1x32x1024xf32, #tpu.memory_space<vmem>>
    %dma_start3A_303 = tpu.memref_squeeze %dma_start3A_302 : memref<1x32x1024xf32, #tpu.memory_space<vmem>> -> memref<32x1024xf32, #tpu.memory_space<vmem>>
    %dma_start3A_304 = arith.constant 0 : i32
    %dma_start3A_305 = tpu.memref_slice %arg3[%dma_start3A_299, %add3A_297, %dma_start3A_304] : memref<4x4096x1024xf32, #tpu.memory_space<hbm>> -> memref<1x32x1024xf32, #tpu.memory_space<hbm>>
    %dma_start3A_306 = tpu.memref_squeeze %dma_start3A_305 : memref<1x32x1024xf32, #tpu.memory_space<hbm>> -> memref<32x1024xf32, #tpu.memory_space<hbm>>
    %dma_start3A_307 = arith.constant 0 : i32
    %dma_start3A_308 = tpu.memref_slice %arg3[%dma_start3A_299, %add3A_297, %dma_start3A_307] : memref<4x4096x1024xf32, #tpu.memory_space<hbm>> -> memref<1x32x1024xf32, #tpu.memory_space<hbm>>
    %dma_start3A_309 = tpu.memref_squeeze %dma_start3A_308 : memref<1x32x1024xf32, #tpu.memory_space<hbm>> -> memref<32x1024xf32, #tpu.memory_space<hbm>>
    %dma_start3A_310 = arith.constant 0 : i32
    %dma_start3A_311 = arith.constant 0 : i32
    %dma_start3A_312 = tpu.memref_slice %arg4[%dma_start3A_298, %dma_start3A_310, %dma_start3A_311] : memref<3x32x1024xf32, #tpu.memory_space<vmem>> -> memref<1x32x1024xf32, #tpu.memory_space<vmem>>
    %dma_start3A_313 = tpu.memref_squeeze %dma_start3A_312 : memref<1x32x1024xf32, #tpu.memory_space<vmem>> -> memref<32x1024xf32, #tpu.memory_space<vmem>>
    tpu.enqueue_dma source(%dma_start3A_313 : memref<32x1024xf32, #tpu.memory_space<vmem>>) target(%dma_start3A_309 : memref<32x1024xf32, #tpu.memory_space<hbm>>) target_semaphore(%arg6 : memref<!tpu.dma_semaphore, #tpu.memory_space<semaphore_mem>>)
    %dma_start3A_314 = arith.constant 2 : i32
    %dma_start3A_315 = arith.constant 1 : i32
    %dma_start3A_316 = arith.constant 0 : i32
    %dma_start3A_317 = arith.constant 0 : i32
    %dma_start3A_318 = tpu.memref_slice %arg4[%dma_start3A_314, %dma_start3A_316, %dma_start3A_317] : memref<3x32x1024xf32, #tpu.memory_space<vmem>> -> memref<1x32x1024xf32, #tpu.memory_space<vmem>>
    %dma_start3A_319 = tpu.memref_squeeze %dma_start3A_318 : memref<1x32x1024xf32, #tpu.memory_space<vmem>> -> memref<32x1024xf32, #tpu.memory_space<vmem>>
    %dma_start3A_320 = arith.constant 0 : i32
    %dma_start3A_321 = tpu.memref_slice %arg3[%dma_start3A_315, %add3A_297, %dma_start3A_320] : memref<4x4096x1024xf32, #tpu.memory_space<hbm>> -> memref<1x32x1024xf32, #tpu.memory_space<hbm>>
    %dma_start3A_322 = tpu.memref_squeeze %dma_start3A_321 : memref<1x32x1024xf32, #tpu.memory_space<hbm>> -> memref<32x1024xf32, #tpu.memory_space<hbm>>
    %dma_start3A_323 = arith.constant 0 : i32
    %dma_start3A_324 = tpu.memref_slice %arg3[%dma_start3A_315, %add3A_297, %dma_start3A_323] : memref<4x4096x1024xf32, #tpu.memory_space<hbm>> -> memref<1x32x1024xf32, #tpu.memory_space<hbm>>
    %dma_start3A_325 = tpu.memref_squeeze %dma_start3A_324 : memref<1x32x1024xf32, #tpu.memory_space<hbm>> -> memref<32x1024xf32, #tpu.memory_space<hbm>>
    %dma_start3A_326 = arith.constant 0 : i32
    %dma_start3A_327 = arith.constant 0 : i32
    %dma_start3A_328 = tpu.memref_slice %arg4[%dma_start3A_314, %dma_start3A_326, %dma_start3A_327] : memref<3x32x1024xf32, #tpu.memory_space<vmem>> -> memref<1x32x1024xf32, #tpu.memory_space<vmem>>
    %dma_start3A_329 = tpu.memref_squeeze %dma_start3A_328 : memref<1x32x1024xf32, #tpu.memory_space<vmem>> -> memref<32x1024xf32, #tpu.memory_space<vmem>>
    tpu.enqueue_dma source(%dma_start3A_329 : memref<32x1024xf32, #tpu.memory_space<vmem>>) target(%dma_start3A_325 : memref<32x1024xf32, #tpu.memory_space<hbm>>) target_semaphore(%arg6 : memref<!tpu.dma_semaphore, #tpu.memory_space<semaphore_mem>>)
    %dma_start3A_330 = arith.constant 2 : i32
    %dma_start3A_331 = arith.constant 2 : i32
    %dma_start3A_332 = arith.constant 0 : i32
    %dma_start3A_333 = arith.constant 0 : i32
    %dma_start3A_334 = tpu.memref_slice %arg4[%dma_start3A_330, %dma_start3A_332, %dma_start3A_333] : memref<3x32x1024xf32, #tpu.memory_space<vmem>> -> memref<1x32x1024xf32, #tpu.memory_space<vmem>>
    %dma_start3A_335 = tpu.memref_squeeze %dma_start3A_334 : memref<1x32x1024xf32, #tpu.memory_space<vmem>> -> memref<32x1024xf32, #tpu.memory_space<vmem>>
    %dma_start3A_336 = arith.constant 0 : i32
    %dma_start3A_337 = tpu.memref_slice %arg3[%dma_start3A_331, %add3A_297, %dma_start3A_336] : memref<4x4096x1024xf32, #tpu.memory_space<hbm>> -> memref<1x32x1024xf32, #tpu.memory_space<hbm>>
    %dma_start3A_338 = tpu.memref_squeeze %dma_start3A_337 : memref<1x32x1024xf32, #tpu.memory_space<hbm>> -> memref<32x1024xf32, #tpu.memory_space<hbm>>
    %dma_start3A_339 = arith.constant 0 : i32
    %dma_start3A_340 = tpu.memref_slice %arg3[%dma_start3A_331, %add3A_297, %dma_start3A_339] : memref<4x4096x1024xf32, #tpu.memory_space<hbm>> -> memref<1x32x1024xf32, #tpu.memory_space<hbm>>
    %dma_start3A_341 = tpu.memref_squeeze %dma_start3A_340 : memref<1x32x1024xf32, #tpu.memory_space<hbm>> -> memref<32x1024xf32, #tpu.memory_space<hbm>>
    %dma_start3A_342 = arith.constant 0 : i32
    %dma_start3A_343 = arith.constant 0 : i32
    %dma_start3A_344 = tpu.memref_slice %arg4[%dma_start3A_330, %dma_start3A_342, %dma_start3A_343] : memref<3x32x1024xf32, #tpu.memory_space<vmem>> -> memref<1x32x1024xf32, #tpu.memory_space<vmem>>
    %dma_start3A_345 = tpu.memref_squeeze %dma_start3A_344 : memref<1x32x1024xf32, #tpu.memory_space<vmem>> -> memref<32x1024xf32, #tpu.memory_space<vmem>>
    tpu.enqueue_dma source(%dma_start3A_345 : memref<32x1024xf32, #tpu.memory_space<vmem>>) target(%dma_start3A_341 : memref<32x1024xf32, #tpu.memory_space<hbm>>) target_semaphore(%arg6 : memref<!tpu.dma_semaphore, #tpu.memory_space<semaphore_mem>>)
    %dma_start3A_346 = arith.constant 2 : i32
    %dma_start3A_347 = arith.constant 3 : i32
    %dma_start3A_348 = arith.constant 0 : i32
    %dma_start3A_349 = arith.constant 0 : i32
    %dma_start3A_350 = tpu.memref_slice %arg4[%dma_start3A_346, %dma_start3A_348, %dma_start3A_349] : memref<3x32x1024xf32, #tpu.memory_space<vmem>> -> memref<1x32x1024xf32, #tpu.memory_space<vmem>>
    %dma_start3A_351 = tpu.memref_squeeze %dma_start3A_350 : memref<1x32x1024xf32, #tpu.memory_space<vmem>> -> memref<32x1024xf32, #tpu.memory_space<vmem>>
    %dma_start3A_352 = arith.constant 0 : i32
    %dma_start3A_353 = tpu.memref_slice %arg3[%dma_start3A_347, %add3A_297, %dma_start3A_352] : memref<4x4096x1024xf32, #tpu.memory_space<hbm>> -> memref<1x32x1024xf32, #tpu.memory_space<hbm>>
    %dma_start3A_354 = tpu.memref_squeeze %dma_start3A_353 : memref<1x32x1024xf32, #tpu.memory_space<hbm>> -> memref<32x1024xf32, #tpu.memory_space<hbm>>
    %dma_start3A_355 = arith.constant 0 : i32
    %dma_start3A_356 = tpu.memref_slice %arg3[%dma_start3A_347, %add3A_297, %dma_start3A_355] : memref<4x4096x1024xf32, #tpu.memory_space<hbm>> -> memref<1x32x1024xf32, #tpu.memory_space<hbm>>
    %dma_start3A_357 = tpu.memref_squeeze %dma_start3A_356 : memref<1x32x1024xf32, #tpu.memory_space<hbm>> -> memref<32x1024xf32, #tpu.memory_space<hbm>>
    %dma_start3A_358 = arith.constant 0 : i32
    %dma_start3A_359 = arith.constant 0 : i32
    %dma_start3A_360 = tpu.memref_slice %arg4[%dma_start3A_346, %dma_start3A_358, %dma_start3A_359] : memref<3x32x1024xf32, #tpu.memory_space<vmem>> -> memref<1x32x1024xf32, #tpu.memory_space<vmem>>
    %dma_start3A_361 = tpu.memref_squeeze %dma_start3A_360 : memref<1x32x1024xf32, #tpu.memory_space<vmem>> -> memref<32x1024xf32, #tpu.memory_space<vmem>>
    tpu.enqueue_dma source(%dma_start3A_361 : memref<32x1024xf32, #tpu.memory_space<vmem>>) target(%dma_start3A_357 : memref<32x1024xf32, #tpu.memory_space<hbm>>) target_semaphore(%arg6 : memref<!tpu.dma_semaphore, #tpu.memory_space<semaphore_mem>>)
    %dma_wait3A_362 = arith.constant 0 : i32
    %dma_wait3A_363 = arith.constant 0 : i32
    %dma_wait3A_364 = arith.constant 0 : i32
    %dma_wait3A_365 = tpu.memref_slice %arg4[%dma_wait3A_362, %dma_wait3A_363, %dma_wait3A_364] : memref<3x32x1024xf32, #tpu.memory_space<vmem>> -> memref<1x32x1024xf32, #tpu.memory_space<vmem>>
    %dma_wait3A_366 = tpu.memref_squeeze %dma_wait3A_365 : memref<1x32x1024xf32, #tpu.memory_space<vmem>> -> memref<32x1024xf32, #tpu.memory_space<vmem>>
    %dma_wait3A_367 = arith.constant 0 : i32
    %dma_wait3A_368 = tpu.memref_slice %arg2[%add3A_269, %dma_wait3A_367] : memref<8192x1024xf32, #tpu.memory_space<hbm>> -> memref<32x1024xf32, #tpu.memory_space<hbm>>
    %dma_wait3A_369 = arith.constant 0 : i32
    %dma_wait3A_370 = arith.constant 0 : i32
    %dma_wait3A_371 = tpu.memref_slice %arg4[%dma_wait3A_362, %dma_wait3A_369, %dma_wait3A_370] : memref<3x32x1024xf32, #tpu.memory_space<vmem>> -> memref<1x32x1024xf32, #tpu.memory_space<vmem>>
    %dma_wait3A_372 = tpu.memref_squeeze %dma_wait3A_371 : memref<1x32x1024xf32, #tpu.memory_space<vmem>> -> memref<32x1024xf32, #tpu.memory_space<vmem>>
    %dma_wait3A_373 = arith.constant 0 : i32
    %dma_wait3A_374 = tpu.memref_slice %arg2[%add3A_269, %dma_wait3A_373] : memref<8192x1024xf32, #tpu.memory_space<hbm>> -> memref<32x1024xf32, #tpu.memory_space<hbm>>
    tpu.wait_dma2 semaphore(%arg5 : memref<!tpu.dma_semaphore, #tpu.memory_space<semaphore_mem>>) src(%dma_wait3A_374 : memref<32x1024xf32, #tpu.memory_space<hbm>>) dst(%dma_wait3A_372 : memref<32x1024xf32, #tpu.memory_space<vmem>>)
    %add3A_375 = arith.constant 96 : i32
    %add3A_376 = arith.addi %mul3A_2, %add3A_375 : i32
    %dma_start3A_377 = arith.constant 0 : i32
    %dma_start3A_378 = arith.constant 0 : i32
    %dma_start3A_379 = arith.constant 0 : i32
    %dma_start3A_380 = arith.constant 0 : i32
    %dma_start3A_381 = tpu.memref_slice %arg4[%dma_start3A_377, %dma_start3A_379, %dma_start3A_380] : memref<3x32x1024xf32, #tpu.memory_space<vmem>> -> memref<1x32x1024xf32, #tpu.memory_space<vmem>>
    %dma_start3A_382 = tpu.memref_squeeze %dma_start3A_381 : memref<1x32x1024xf32, #tpu.memory_space<vmem>> -> memref<32x1024xf32, #tpu.memory_space<vmem>>
    %dma_start3A_383 = arith.constant 0 : i32
    %dma_start3A_384 = tpu.memref_slice %arg3[%dma_start3A_378, %add3A_376, %dma_start3A_383] : memref<4x4096x1024xf32, #tpu.memory_space<hbm>> -> memref<1x32x1024xf32, #tpu.memory_space<hbm>>
    %dma_start3A_385 = tpu.memref_squeeze %dma_start3A_384 : memref<1x32x1024xf32, #tpu.memory_space<hbm>> -> memref<32x1024xf32, #tpu.memory_space<hbm>>
    %dma_start3A_386 = arith.constant 0 : i32
    %dma_start3A_387 = tpu.memref_slice %arg3[%dma_start3A_378, %add3A_376, %dma_start3A_386] : memref<4x4096x1024xf32, #tpu.memory_space<hbm>> -> memref<1x32x1024xf32, #tpu.memory_space<hbm>>
    %dma_start3A_388 = tpu.memref_squeeze %dma_start3A_387 : memref<1x32x1024xf32, #tpu.memory_space<hbm>> -> memref<32x1024xf32, #tpu.memory_space<hbm>>
    %dma_start3A_389 = arith.constant 0 : i32
    %dma_start3A_390 = arith.constant 0 : i32
    %dma_start3A_391 = tpu.memref_slice %arg4[%dma_start3A_377, %dma_start3A_389, %dma_start3A_390] : memref<3x32x1024xf32, #tpu.memory_space<vmem>> -> memref<1x32x1024xf32, #tpu.memory_space<vmem>>
    %dma_start3A_392 = tpu.memref_squeeze %dma_start3A_391 : memref<1x32x1024xf32, #tpu.memory_space<vmem>> -> memref<32x1024xf32, #tpu.memory_space<vmem>>
    tpu.enqueue_dma source(%dma_start3A_392 : memref<32x1024xf32, #tpu.memory_space<vmem>>) target(%dma_start3A_388 : memref<32x1024xf32, #tpu.memory_space<hbm>>) target_semaphore(%arg6 : memref<!tpu.dma_semaphore, #tpu.memory_space<semaphore_mem>>)
    %dma_start3A_393 = arith.constant 0 : i32
    %dma_start3A_394 = arith.constant 1 : i32
    %dma_start3A_395 = arith.constant 0 : i32
    %dma_start3A_396 = arith.constant 0 : i32
    %dma_start3A_397 = tpu.memref_slice %arg4[%dma_start3A_393, %dma_start3A_395, %dma_start3A_396] : memref<3x32x1024xf32, #tpu.memory_space<vmem>> -> memref<1x32x1024xf32, #tpu.memory_space<vmem>>
    %dma_start3A_398 = tpu.memref_squeeze %dma_start3A_397 : memref<1x32x1024xf32, #tpu.memory_space<vmem>> -> memref<32x1024xf32, #tpu.memory_space<vmem>>
    %dma_start3A_399 = arith.constant 0 : i32
    %dma_start3A_400 = tpu.memref_slice %arg3[%dma_start3A_394, %add3A_376, %dma_start3A_399] : memref<4x4096x1024xf32, #tpu.memory_space<hbm>> -> memref<1x32x1024xf32, #tpu.memory_space<hbm>>
    %dma_start3A_401 = tpu.memref_squeeze %dma_start3A_400 : memref<1x32x1024xf32, #tpu.memory_space<hbm>> -> memref<32x1024xf32, #tpu.memory_space<hbm>>
    %dma_start3A_402 = arith.constant 0 : i32
    %dma_start3A_403 = tpu.memref_slice %arg3[%dma_start3A_394, %add3A_376, %dma_start3A_402] : memref<4x4096x1024xf32, #tpu.memory_space<hbm>> -> memref<1x32x1024xf32, #tpu.memory_space<hbm>>
    %dma_start3A_404 = tpu.memref_squeeze %dma_start3A_403 : memref<1x32x1024xf32, #tpu.memory_space<hbm>> -> memref<32x1024xf32, #tpu.memory_space<hbm>>
    %dma_start3A_405 = arith.constant 0 : i32
    %dma_start3A_406 = arith.constant 0 : i32
    %dma_start3A_407 = tpu.memref_slice %arg4[%dma_start3A_393, %dma_start3A_405, %dma_start3A_406] : memref<3x32x1024xf32, #tpu.memory_space<vmem>> -> memref<1x32x1024xf32, #tpu.memory_space<vmem>>
    %dma_start3A_408 = tpu.memref_squeeze %dma_start3A_407 : memref<1x32x1024xf32, #tpu.memory_space<vmem>> -> memref<32x1024xf32, #tpu.memory_space<vmem>>
    tpu.enqueue_dma source(%dma_start3A_408 : memref<32x1024xf32, #tpu.memory_space<vmem>>) target(%dma_start3A_404 : memref<32x1024xf32, #tpu.memory_space<hbm>>) target_semaphore(%arg6 : memref<!tpu.dma_semaphore, #tpu.memory_space<semaphore_mem>>)
    %dma_start3A_409 = arith.constant 0 : i32
    %dma_start3A_410 = arith.constant 2 : i32
    %dma_start3A_411 = arith.constant 0 : i32
    %dma_start3A_412 = arith.constant 0 : i32
    %dma_start3A_413 = tpu.memref_slice %arg4[%dma_start3A_409, %dma_start3A_411, %dma_start3A_412] : memref<3x32x1024xf32, #tpu.memory_space<vmem>> -> memref<1x32x1024xf32, #tpu.memory_space<vmem>>
    %dma_start3A_414 = tpu.memref_squeeze %dma_start3A_413 : memref<1x32x1024xf32, #tpu.memory_space<vmem>> -> memref<32x1024xf32, #tpu.memory_space<vmem>>
    %dma_start3A_415 = arith.constant 0 : i32
    %dma_start3A_416 = tpu.memref_slice %arg3[%dma_start3A_410, %add3A_376, %dma_start3A_415] : memref<4x4096x1024xf32, #tpu.memory_space<hbm>> -> memref<1x32x1024xf32, #tpu.memory_space<hbm>>
    %dma_start3A_417 = tpu.memref_squeeze %dma_start3A_416 : memref<1x32x1024xf32, #tpu.memory_space<hbm>> -> memref<32x1024xf32, #tpu.memory_space<hbm>>
    %dma_start3A_418 = arith.constant 0 : i32
    %dma_start3A_419 = tpu.memref_slice %arg3[%dma_start3A_410, %add3A_376, %dma_start3A_418] : memref<4x4096x1024xf32, #tpu.memory_space<hbm>> -> memref<1x32x1024xf32, #tpu.memory_space<hbm>>
    %dma_start3A_420 = tpu.memref_squeeze %dma_start3A_419 : memref<1x32x1024xf32, #tpu.memory_space<hbm>> -> memref<32x1024xf32, #tpu.memory_space<hbm>>
    %dma_start3A_421 = arith.constant 0 : i32
    %dma_start3A_422 = arith.constant 0 : i32
    %dma_start3A_423 = tpu.memref_slice %arg4[%dma_start3A_409, %dma_start3A_421, %dma_start3A_422] : memref<3x32x1024xf32, #tpu.memory_space<vmem>> -> memref<1x32x1024xf32, #tpu.memory_space<vmem>>
    %dma_start3A_424 = tpu.memref_squeeze %dma_start3A_423 : memref<1x32x1024xf32, #tpu.memory_space<vmem>> -> memref<32x1024xf32, #tpu.memory_space<vmem>>
    tpu.enqueue_dma source(%dma_start3A_424 : memref<32x1024xf32, #tpu.memory_space<vmem>>) target(%dma_start3A_420 : memref<32x1024xf32, #tpu.memory_space<hbm>>) target_semaphore(%arg6 : memref<!tpu.dma_semaphore, #tpu.memory_space<semaphore_mem>>)
    %dma_start3A_425 = arith.constant 0 : i32
    %dma_start3A_426 = arith.constant 3 : i32
    %dma_start3A_427 = arith.constant 0 : i32
    %dma_start3A_428 = arith.constant 0 : i32
    %dma_start3A_429 = tpu.memref_slice %arg4[%dma_start3A_425, %dma_start3A_427, %dma_start3A_428] : memref<3x32x1024xf32, #tpu.memory_space<vmem>> -> memref<1x32x1024xf32, #tpu.memory_space<vmem>>
    %dma_start3A_430 = tpu.memref_squeeze %dma_start3A_429 : memref<1x32x1024xf32, #tpu.memory_space<vmem>> -> memref<32x1024xf32, #tpu.memory_space<vmem>>
    %dma_start3A_431 = arith.constant 0 : i32
    %dma_start3A_432 = tpu.memref_slice %arg3[%dma_start3A_426, %add3A_376, %dma_start3A_431] : memref<4x4096x1024xf32, #tpu.memory_space<hbm>> -> memref<1x32x1024xf32, #tpu.memory_space<hbm>>
    %dma_start3A_433 = tpu.memref_squeeze %dma_start3A_432 : memref<1x32x1024xf32, #tpu.memory_space<hbm>> -> memref<32x1024xf32, #tpu.memory_space<hbm>>
    %dma_start3A_434 = arith.constant 0 : i32
    %dma_start3A_435 = tpu.memref_slice %arg3[%dma_start3A_426, %add3A_376, %dma_start3A_434] : memref<4x4096x1024xf32, #tpu.memory_space<hbm>> -> memref<1x32x1024xf32, #tpu.memory_space<hbm>>
    %dma_start3A_436 = tpu.memref_squeeze %dma_start3A_435 : memref<1x32x1024xf32, #tpu.memory_space<hbm>> -> memref<32x1024xf32, #tpu.memory_space<hbm>>
    %dma_start3A_437 = arith.constant 0 : i32
    %dma_start3A_438 = arith.constant 0 : i32
    %dma_start3A_439 = tpu.memref_slice %arg4[%dma_start3A_425, %dma_start3A_437, %dma_start3A_438] : memref<3x32x1024xf32, #tpu.memory_space<vmem>> -> memref<1x32x1024xf32, #tpu.memory_space<vmem>>
    %dma_start3A_440 = tpu.memref_squeeze %dma_start3A_439 : memref<1x32x1024xf32, #tpu.memory_space<vmem>> -> memref<32x1024xf32, #tpu.memory_space<vmem>>
    tpu.enqueue_dma source(%dma_start3A_440 : memref<32x1024xf32, #tpu.memory_space<vmem>>) target(%dma_start3A_436 : memref<32x1024xf32, #tpu.memory_space<hbm>>) target_semaphore(%arg6 : memref<!tpu.dma_semaphore, #tpu.memory_space<semaphore_mem>>)
    %dma_wait3A_441 = arith.constant 1 : i32
    %dma_wait3A_442 = arith.constant 0 : i32
    %dma_wait3A_443 = arith.constant 0 : i32
    %dma_wait3A_444 = arith.constant 0 : i32
    %dma_wait3A_445 = tpu.memref_slice %arg4[%dma_wait3A_441, %dma_wait3A_443, %dma_wait3A_444] : memref<3x32x1024xf32, #tpu.memory_space<vmem>> -> memref<1x32x1024xf32, #tpu.memory_space<vmem>>
    %dma_wait3A_446 = tpu.memref_squeeze %dma_wait3A_445 : memref<1x32x1024xf32, #tpu.memory_space<vmem>> -> memref<32x1024xf32, #tpu.memory_space<vmem>>
    %dma_wait3A_447 = arith.constant 0 : i32
    %dma_wait3A_448 = tpu.memref_slice %arg3[%dma_wait3A_442, %add3A_139, %dma_wait3A_447] : memref<4x4096x1024xf32, #tpu.memory_space<hbm>> -> memref<1x32x1024xf32, #tpu.memory_space<hbm>>
    %dma_wait3A_449 = tpu.memref_squeeze %dma_wait3A_448 : memref<1x32x1024xf32, #tpu.memory_space<hbm>> -> memref<32x1024xf32, #tpu.memory_space<hbm>>
    %dma_wait3A_450 = arith.constant 0 : i32
    %dma_wait3A_451 = tpu.memref_slice %arg3[%dma_wait3A_442, %add3A_139, %dma_wait3A_450] : memref<4x4096x1024xf32, #tpu.memory_space<hbm>> -> memref<1x32x1024xf32, #tpu.memory_space<hbm>>
    %dma_wait3A_452 = tpu.memref_squeeze %dma_wait3A_451 : memref<1x32x1024xf32, #tpu.memory_space<hbm>> -> memref<32x1024xf32, #tpu.memory_space<hbm>>
    %dma_wait3A_453 = arith.constant 0 : i32
    %dma_wait3A_454 = arith.constant 0 : i32
    %dma_wait3A_455 = tpu.memref_slice %arg4[%dma_wait3A_441, %dma_wait3A_453, %dma_wait3A_454] : memref<3x32x1024xf32, #tpu.memory_space<vmem>> -> memref<1x32x1024xf32, #tpu.memory_space<vmem>>
    %dma_wait3A_456 = tpu.memref_squeeze %dma_wait3A_455 : memref<1x32x1024xf32, #tpu.memory_space<vmem>> -> memref<32x1024xf32, #tpu.memory_space<vmem>>
    tpu.wait_dma2 semaphore(%arg6 : memref<!tpu.dma_semaphore, #tpu.memory_space<semaphore_mem>>) src(%dma_wait3A_456 : memref<32x1024xf32, #tpu.memory_space<vmem>>) dst(%dma_wait3A_452 : memref<32x1024xf32, #tpu.memory_space<hbm>>)
    %dma_wait3A_457 = arith.constant 1 : i32
    %dma_wait3A_458 = arith.constant 1 : i32
    %dma_wait3A_459 = arith.constant 0 : i32
    %dma_wait3A_460 = arith.constant 0 : i32
    %dma_wait3A_461 = tpu.memref_slice %arg4[%dma_wait3A_457, %dma_wait3A_459, %dma_wait3A_460] : memref<3x32x1024xf32, #tpu.memory_space<vmem>> -> memref<1x32x1024xf32, #tpu.memory_space<vmem>>
    %dma_wait3A_462 = tpu.memref_squeeze %dma_wait3A_461 : memref<1x32x1024xf32, #tpu.memory_space<vmem>> -> memref<32x1024xf32, #tpu.memory_space<vmem>>
    %dma_wait3A_463 = arith.constant 0 : i32
    %dma_wait3A_464 = tpu.memref_slice %arg3[%dma_wait3A_458, %add3A_139, %dma_wait3A_463] : memref<4x4096x1024xf32, #tpu.memory_space<hbm>> -> memref<1x32x1024xf32, #tpu.memory_space<hbm>>
    %dma_wait3A_465 = tpu.memref_squeeze %dma_wait3A_464 : memref<1x32x1024xf32, #tpu.memory_space<hbm>> -> memref<32x1024xf32, #tpu.memory_space<hbm>>
    %dma_wait3A_466 = arith.constant 0 : i32
    %dma_wait3A_467 = tpu.memref_slice %arg3[%dma_wait3A_458, %add3A_139, %dma_wait3A_466] : memref<4x4096x1024xf32, #tpu.memory_space<hbm>> -> memref<1x32x1024xf32, #tpu.memory_space<hbm>>
    %dma_wait3A_468 = tpu.memref_squeeze %dma_wait3A_467 : memref<1x32x1024xf32, #tpu.memory_space<hbm>> -> memref<32x1024xf32, #tpu.memory_space<hbm>>
    %dma_wait3A_469 = arith.constant 0 : i32
    %dma_wait3A_470 = arith.constant 0 : i32
    %dma_wait3A_471 = tpu.memref_slice %arg4[%dma_wait3A_457, %dma_wait3A_469, %dma_wait3A_470] : memref<3x32x1024xf32, #tpu.memory_space<vmem>> -> memref<1x32x1024xf32, #tpu.memory_space<vmem>>
    %dma_wait3A_472 = tpu.memref_squeeze %dma_wait3A_471 : memref<1x32x1024xf32, #tpu.memory_space<vmem>> -> memref<32x1024xf32, #tpu.memory_space<vmem>>
    tpu.wait_dma2 semaphore(%arg6 : memref<!tpu.dma_semaphore, #tpu.memory_space<semaphore_mem>>) src(%dma_wait3A_472 : memref<32x1024xf32, #tpu.memory_space<vmem>>) dst(%dma_wait3A_468 : memref<32x1024xf32, #tpu.memory_space<hbm>>)
    %dma_wait3A_473 = arith.constant 1 : i32
    %dma_wait3A_474 = arith.constant 2 : i32
    %dma_wait3A_475 = arith.constant 0 : i32
    %dma_wait3A_476 = arith.constant 0 : i32
    %dma_wait3A_477 = tpu.memref_slice %arg4[%dma_wait3A_473, %dma_wait3A_475, %dma_wait3A_476] : memref<3x32x1024xf32, #tpu.memory_space<vmem>> -> memref<1x32x1024xf32, #tpu.memory_space<vmem>>
    %dma_wait3A_478 = tpu.memref_squeeze %dma_wait3A_477 : memref<1x32x1024xf32, #tpu.memory_space<vmem>> -> memref<32x1024xf32, #tpu.memory_space<vmem>>
    %dma_wait3A_479 = arith.constant 0 : i32
    %dma_wait3A_480 = tpu.memref_slice %arg3[%dma_wait3A_474, %add3A_139, %dma_wait3A_479] : memref<4x4096x1024xf32, #tpu.memory_space<hbm>> -> memref<1x32x1024xf32, #tpu.memory_space<hbm>>
    %dma_wait3A_481 = tpu.memref_squeeze %dma_wait3A_480 : memref<1x32x1024xf32, #tpu.memory_space<hbm>> -> memref<32x1024xf32, #tpu.memory_space<hbm>>
    %dma_wait3A_482 = arith.constant 0 : i32
    %dma_wait3A_483 = tpu.memref_slice %arg3[%dma_wait3A_474, %add3A_139, %dma_wait3A_482] : memref<4x4096x1024xf32, #tpu.memory_space<hbm>> -> memref<1x32x1024xf32, #tpu.memory_space<hbm>>
    %dma_wait3A_484 = tpu.memref_squeeze %dma_wait3A_483 : memref<1x32x1024xf32, #tpu.memory_space<hbm>> -> memref<32x1024xf32, #tpu.memory_space<hbm>>
    %dma_wait3A_485 = arith.constant 0 : i32
    %dma_wait3A_486 = arith.constant 0 : i32
    %dma_wait3A_487 = tpu.memref_slice %arg4[%dma_wait3A_473, %dma_wait3A_485, %dma_wait3A_486] : memref<3x32x1024xf32, #tpu.memory_space<vmem>> -> memref<1x32x1024xf32, #tpu.memory_space<vmem>>
    %dma_wait3A_488 = tpu.memref_squeeze %dma_wait3A_487 : memref<1x32x1024xf32, #tpu.memory_space<vmem>> -> memref<32x1024xf32, #tpu.memory_space<vmem>>
    tpu.wait_dma2 semaphore(%arg6 : memref<!tpu.dma_semaphore, #tpu.memory_space<semaphore_mem>>) src(%dma_wait3A_488 : memref<32x1024xf32, #tpu.memory_space<vmem>>) dst(%dma_wait3A_484 : memref<32x1024xf32, #tpu.memory_space<hbm>>)
    %dma_wait3A_489 = arith.constant 1 : i32
    %dma_wait3A_490 = arith.constant 3 : i32
    %dma_wait3A_491 = arith.constant 0 : i32
    %dma_wait3A_492 = arith.constant 0 : i32
    %dma_wait3A_493 = tpu.memref_slice %arg4[%dma_wait3A_489, %dma_wait3A_491, %dma_wait3A_492] : memref<3x32x1024xf32, #tpu.memory_space<vmem>> -> memref<1x32x1024xf32, #tpu.memory_space<vmem>>
    %dma_wait3A_494 = tpu.memref_squeeze %dma_wait3A_493 : memref<1x32x1024xf32, #tpu.memory_space<vmem>> -> memref<32x1024xf32, #tpu.memory_space<vmem>>
    %dma_wait3A_495 = arith.constant 0 : i32
    %dma_wait3A_496 = tpu.memref_slice %arg3[%dma_wait3A_490, %add3A_139, %dma_wait3A_495] : memref<4x4096x1024xf32, #tpu.memory_space<hbm>> -> memref<1x32x1024xf32, #tpu.memory_space<hbm>>
    %dma_wait3A_497 = tpu.memref_squeeze %dma_wait3A_496 : memref<1x32x1024xf32, #tpu.memory_space<hbm>> -> memref<32x1024xf32, #tpu.memory_space<hbm>>
    %dma_wait3A_498 = arith.constant 0 : i32
    %dma_wait3A_499 = tpu.memref_slice %arg3[%dma_wait3A_490, %add3A_139, %dma_wait3A_498] : memref<4x4096x1024xf32, #tpu.memory_space<hbm>> -> memref<1x32x1024xf32, #tpu.memory_space<hbm>>
    %dma_wait3A_500 = tpu.memref_squeeze %dma_wait3A_499 : memref<1x32x1024xf32, #tpu.memory_space<hbm>> -> memref<32x1024xf32, #tpu.memory_space<hbm>>
    %dma_wait3A_501 = arith.constant 0 : i32
    %dma_wait3A_502 = arith.constant 0 : i32
    %dma_wait3A_503 = tpu.memref_slice %arg4[%dma_wait3A_489, %dma_wait3A_501, %dma_wait3A_502] : memref<3x32x1024xf32, #tpu.memory_space<vmem>> -> memref<1x32x1024xf32, #tpu.memory_space<vmem>>
    %dma_wait3A_504 = tpu.memref_squeeze %dma_wait3A_503 : memref<1x32x1024xf32, #tpu.memory_space<vmem>> -> memref<32x1024xf32, #tpu.memory_space<vmem>>
    tpu.wait_dma2 semaphore(%arg6 : memref<!tpu.dma_semaphore, #tpu.memory_space<semaphore_mem>>) src(%dma_wait3A_504 : memref<32x1024xf32, #tpu.memory_space<vmem>>) dst(%dma_wait3A_500 : memref<32x1024xf32, #tpu.memory_space<hbm>>)
    %dma_wait3A_505 = arith.constant 2 : i32
    %dma_wait3A_506 = arith.constant 0 : i32
    %dma_wait3A_507 = arith.constant 0 : i32
    %dma_wait3A_508 = arith.constant 0 : i32
    %dma_wait3A_509 = tpu.memref_slice %arg4[%dma_wait3A_505, %dma_wait3A_507, %dma_wait3A_508] : memref<3x32x1024xf32, #tpu.memory_space<vmem>> -> memref<1x32x1024xf32, #tpu.memory_space<vmem>>
    %dma_wait3A_510 = tpu.memref_squeeze %dma_wait3A_509 : memref<1x32x1024xf32, #tpu.memory_space<vmem>> -> memref<32x1024xf32, #tpu.memory_space<vmem>>
    %dma_wait3A_511 = arith.constant 0 : i32
    %dma_wait3A_512 = tpu.memref_slice %arg3[%dma_wait3A_506, %add3A_297, %dma_wait3A_511] : memref<4x4096x1024xf32, #tpu.memory_space<hbm>> -> memref<1x32x1024xf32, #tpu.memory_space<hbm>>
    %dma_wait3A_513 = tpu.memref_squeeze %dma_wait3A_512 : memref<1x32x1024xf32, #tpu.memory_space<hbm>> -> memref<32x1024xf32, #tpu.memory_space<hbm>>
    %dma_wait3A_514 = arith.constant 0 : i32
    %dma_wait3A_515 = tpu.memref_slice %arg3[%dma_wait3A_506, %add3A_297, %dma_wait3A_514] : memref<4x4096x1024xf32, #tpu.memory_space<hbm>> -> memref<1x32x1024xf32, #tpu.memory_space<hbm>>
    %dma_wait3A_516 = tpu.memref_squeeze %dma_wait3A_515 : memref<1x32x1024xf32, #tpu.memory_space<hbm>> -> memref<32x1024xf32, #tpu.memory_space<hbm>>
    %dma_wait3A_517 = arith.constant 0 : i32
    %dma_wait3A_518 = arith.constant 0 : i32
    %dma_wait3A_519 = tpu.memref_slice %arg4[%dma_wait3A_505, %dma_wait3A_517, %dma_wait3A_518] : memref<3x32x1024xf32, #tpu.memory_space<vmem>> -> memref<1x32x1024xf32, #tpu.memory_space<vmem>>
    %dma_wait3A_520 = tpu.memref_squeeze %dma_wait3A_519 : memref<1x32x1024xf32, #tpu.memory_space<vmem>> -> memref<32x1024xf32, #tpu.memory_space<vmem>>
    tpu.wait_dma2 semaphore(%arg6 : memref<!tpu.dma_semaphore, #tpu.memory_space<semaphore_mem>>) src(%dma_wait3A_520 : memref<32x1024xf32, #tpu.memory_space<vmem>>) dst(%dma_wait3A_516 : memref<32x1024xf32, #tpu.memory_space<hbm>>)
    %dma_wait3A_521 = arith.constant 2 : i32
    %dma_wait3A_522 = arith.constant 1 : i32
    %dma_wait3A_523 = arith.constant 0 : i32
    %dma_wait3A_524 = arith.constant 0 : i32
    %dma_wait3A_525 = tpu.memref_slice %arg4[%dma_wait3A_521, %dma_wait3A_523, %dma_wait3A_524] : memref<3x32x1024xf32, #tpu.memory_space<vmem>> -> memref<1x32x1024xf32, #tpu.memory_space<vmem>>
    %dma_wait3A_526 = tpu.memref_squeeze %dma_wait3A_525 : memref<1x32x1024xf32, #tpu.memory_space<vmem>> -> memref<32x1024xf32, #tpu.memory_space<vmem>>
    %dma_wait3A_527 = arith.constant 0 : i32
    %dma_wait3A_528 = tpu.memref_slice %arg3[%dma_wait3A_522, %add3A_297, %dma_wait3A_527] : memref<4x4096x1024xf32, #tpu.memory_space<hbm>> -> memref<1x32x1024xf32, #tpu.memory_space<hbm>>
    %dma_wait3A_529 = tpu.memref_squeeze %dma_wait3A_528 : memref<1x32x1024xf32, #tpu.memory_space<hbm>> -> memref<32x1024xf32, #tpu.memory_space<hbm>>
    %dma_wait3A_530 = arith.constant 0 : i32
    %dma_wait3A_531 = tpu.memref_slice %arg3[%dma_wait3A_522, %add3A_297, %dma_wait3A_530] : memref<4x4096x1024xf32, #tpu.memory_space<hbm>> -> memref<1x32x1024xf32, #tpu.memory_space<hbm>>
    %dma_wait3A_532 = tpu.memref_squeeze %dma_wait3A_531 : memref<1x32x1024xf32, #tpu.memory_space<hbm>> -> memref<32x1024xf32, #tpu.memory_space<hbm>>
    %dma_wait3A_533 = arith.constant 0 : i32
    %dma_wait3A_534 = arith.constant 0 : i32
    %dma_wait3A_535 = tpu.memref_slice %arg4[%dma_wait3A_521, %dma_wait3A_533, %dma_wait3A_534] : memref<3x32x1024xf32, #tpu.memory_space<vmem>> -> memref<1x32x1024xf32, #tpu.memory_space<vmem>>
    %dma_wait3A_536 = tpu.memref_squeeze %dma_wait3A_535 : memref<1x32x1024xf32, #tpu.memory_space<vmem>> -> memref<32x1024xf32, #tpu.memory_space<vmem>>
    tpu.wait_dma2 semaphore(%arg6 : memref<!tpu.dma_semaphore, #tpu.memory_space<semaphore_mem>>) src(%dma_wait3A_536 : memref<32x1024xf32, #tpu.memory_space<vmem>>) dst(%dma_wait3A_532 : memref<32x1024xf32, #tpu.memory_space<hbm>>)
    %dma_wait3A_537 = arith.constant 2 : i32
    %dma_wait3A_538 = arith.constant 2 : i32
    %dma_wait3A_539 = arith.constant 0 : i32
    %dma_wait3A_540 = arith.constant 0 : i32
    %dma_wait3A_541 = tpu.memref_slice %arg4[%dma_wait3A_537, %dma_wait3A_539, %dma_wait3A_540] : memref<3x32x1024xf32, #tpu.memory_space<vmem>> -> memref<1x32x1024xf32, #tpu.memory_space<vmem>>
    %dma_wait3A_542 = tpu.memref_squeeze %dma_wait3A_541 : memref<1x32x1024xf32, #tpu.memory_space<vmem>> -> memref<32x1024xf32, #tpu.memory_space<vmem>>
    %dma_wait3A_543 = arith.constant 0 : i32
    %dma_wait3A_544 = tpu.memref_slice %arg3[%dma_wait3A_538, %add3A_297, %dma_wait3A_543] : memref<4x4096x1024xf32, #tpu.memory_space<hbm>> -> memref<1x32x1024xf32, #tpu.memory_space<hbm>>
    %dma_wait3A_545 = tpu.memref_squeeze %dma_wait3A_544 : memref<1x32x1024xf32, #tpu.memory_space<hbm>> -> memref<32x1024xf32, #tpu.memory_space<hbm>>
    %dma_wait3A_546 = arith.constant 0 : i32
    %dma_wait3A_547 = tpu.memref_slice %arg3[%dma_wait3A_538, %add3A_297, %dma_wait3A_546] : memref<4x4096x1024xf32, #tpu.memory_space<hbm>> -> memref<1x32x1024xf32, #tpu.memory_space<hbm>>
    %dma_wait3A_548 = tpu.memref_squeeze %dma_wait3A_547 : memref<1x32x1024xf32, #tpu.memory_space<hbm>> -> memref<32x1024xf32, #tpu.memory_space<hbm>>
    %dma_wait3A_549 = arith.constant 0 : i32
    %dma_wait3A_550 = arith.constant 0 : i32
    %dma_wait3A_551 = tpu.memref_slice %arg4[%dma_wait3A_537, %dma_wait3A_549, %dma_wait3A_550] : memref<3x32x1024xf32, #tpu.memory_space<vmem>> -> memref<1x32x1024xf32, #tpu.memory_space<vmem>>
    %dma_wait3A_552 = tpu.memref_squeeze %dma_wait3A_551 : memref<1x32x1024xf32, #tpu.memory_space<vmem>> -> memref<32x1024xf32, #tpu.memory_space<vmem>>
    tpu.wait_dma2 semaphore(%arg6 : memref<!tpu.dma_semaphore, #tpu.memory_space<semaphore_mem>>) src(%dma_wait3A_552 : memref<32x1024xf32, #tpu.memory_space<vmem>>) dst(%dma_wait3A_548 : memref<32x1024xf32, #tpu.memory_space<hbm>>)
    %dma_wait3A_553 = arith.constant 2 : i32
    %dma_wait3A_554 = arith.constant 3 : i32
    %dma_wait3A_555 = arith.constant 0 : i32
    %dma_wait3A_556 = arith.constant 0 : i32
    %dma_wait3A_557 = tpu.memref_slice %arg4[%dma_wait3A_553, %dma_wait3A_555, %dma_wait3A_556] : memref<3x32x1024xf32, #tpu.memory_space<vmem>> -> memref<1x32x1024xf32, #tpu.memory_space<vmem>>
    %dma_wait3A_558 = tpu.memref_squeeze %dma_wait3A_557 : memref<1x32x1024xf32, #tpu.memory_space<vmem>> -> memref<32x1024xf32, #tpu.memory_space<vmem>>
    %dma_wait3A_559 = arith.constant 0 : i32
    %dma_wait3A_560 = tpu.memref_slice %arg3[%dma_wait3A_554, %add3A_297, %dma_wait3A_559] : memref<4x4096x1024xf32, #tpu.memory_space<hbm>> -> memref<1x32x1024xf32, #tpu.memory_space<hbm>>
    %dma_wait3A_561 = tpu.memref_squeeze %dma_wait3A_560 : memref<1x32x1024xf32, #tpu.memory_space<hbm>> -> memref<32x1024xf32, #tpu.memory_space<hbm>>
    %dma_wait3A_562 = arith.constant 0 : i32
    %dma_wait3A_563 = tpu.memref_slice %arg3[%dma_wait3A_554, %add3A_297, %dma_wait3A_562] : memref<4x4096x1024xf32, #tpu.memory_space<hbm>> -> memref<1x32x1024xf32, #tpu.memory_space<hbm>>
    %dma_wait3A_564 = tpu.memref_squeeze %dma_wait3A_563 : memref<1x32x1024xf32, #tpu.memory_space<hbm>> -> memref<32x1024xf32, #tpu.memory_space<hbm>>
    %dma_wait3A_565 = arith.constant 0 : i32
    %dma_wait3A_566 = arith.constant 0 : i32
    %dma_wait3A_567 = tpu.memref_slice %arg4[%dma_wait3A_553, %dma_wait3A_565, %dma_wait3A_566] : memref<3x32x1024xf32, #tpu.memory_space<vmem>> -> memref<1x32x1024xf32, #tpu.memory_space<vmem>>
    %dma_wait3A_568 = tpu.memref_squeeze %dma_wait3A_567 : memref<1x32x1024xf32, #tpu.memory_space<vmem>> -> memref<32x1024xf32, #tpu.memory_space<vmem>>
    tpu.wait_dma2 semaphore(%arg6 : memref<!tpu.dma_semaphore, #tpu.memory_space<semaphore_mem>>) src(%dma_wait3A_568 : memref<32x1024xf32, #tpu.memory_space<vmem>>) dst(%dma_wait3A_564 : memref<32x1024xf32, #tpu.memory_space<hbm>>)
    %dma_wait3A_569 = arith.constant 0 : i32
    %dma_wait3A_570 = arith.constant 0 : i32
    %dma_wait3A_571 = arith.constant 0 : i32
    %dma_wait3A_572 = arith.constant 0 : i32
    %dma_wait3A_573 = tpu.memref_slice %arg4[%dma_wait3A_569, %dma_wait3A_571, %dma_wait3A_572] : memref<3x32x1024xf32, #tpu.memory_space<vmem>> -> memref<1x32x1024xf32, #tpu.memory_space<vmem>>
    %dma_wait3A_574 = tpu.memref_squeeze %dma_wait3A_573 : memref<1x32x1024xf32, #tpu.memory_space<vmem>> -> memref<32x1024xf32, #tpu.memory_space<vmem>>
    %dma_wait3A_575 = arith.constant 0 : i32
    %dma_wait3A_576 = tpu.memref_slice %arg3[%dma_wait3A_570, %add3A_376, %dma_wait3A_575] : memref<4x4096x1024xf32, #tpu.memory_space<hbm>> -> memref<1x32x1024xf32, #tpu.memory_space<hbm>>
    %dma_wait3A_577 = tpu.memref_squeeze %dma_wait3A_576 : memref<1x32x1024xf32, #tpu.memory_space<hbm>> -> memref<32x1024xf32, #tpu.memory_space<hbm>>
    %dma_wait3A_578 = arith.constant 0 : i32
    %dma_wait3A_579 = tpu.memref_slice %arg3[%dma_wait3A_570, %add3A_376, %dma_wait3A_578] : memref<4x4096x1024xf32, #tpu.memory_space<hbm>> -> memref<1x32x1024xf32, #tpu.memory_space<hbm>>
    %dma_wait3A_580 = tpu.memref_squeeze %dma_wait3A_579 : memref<1x32x1024xf32, #tpu.memory_space<hbm>> -> memref<32x1024xf32, #tpu.memory_space<hbm>>
    %dma_wait3A_581 = arith.constant 0 : i32
    %dma_wait3A_582 = arith.constant 0 : i32
    %dma_wait3A_583 = tpu.memref_slice %arg4[%dma_wait3A_569, %dma_wait3A_581, %dma_wait3A_582] : memref<3x32x1024xf32, #tpu.memory_space<vmem>> -> memref<1x32x1024xf32, #tpu.memory_space<vmem>>
    %dma_wait3A_584 = tpu.memref_squeeze %dma_wait3A_583 : memref<1x32x1024xf32, #tpu.memory_space<vmem>> -> memref<32x1024xf32, #tpu.memory_space<vmem>>
    tpu.wait_dma2 semaphore(%arg6 : memref<!tpu.dma_semaphore, #tpu.memory_space<semaphore_mem>>) src(%dma_wait3A_584 : memref<32x1024xf32, #tpu.memory_space<vmem>>) dst(%dma_wait3A_580 : memref<32x1024xf32, #tpu.memory_space<hbm>>)
    %dma_wait3A_585 = arith.constant 0 : i32
    %dma_wait3A_586 = arith.constant 1 : i32
    %dma_wait3A_587 = arith.constant 0 : i32
    %dma_wait3A_588 = arith.constant 0 : i32
    %dma_wait3A_589 = tpu.memref_slice %arg4[%dma_wait3A_585, %dma_wait3A_587, %dma_wait3A_588] : memref<3x32x1024xf32, #tpu.memory_space<vmem>> -> memref<1x32x1024xf32, #tpu.memory_space<vmem>>
    %dma_wait3A_590 = tpu.memref_squeeze %dma_wait3A_589 : memref<1x32x1024xf32, #tpu.memory_space<vmem>> -> memref<32x1024xf32, #tpu.memory_space<vmem>>
    %dma_wait3A_591 = arith.constant 0 : i32
    %dma_wait3A_592 = tpu.memref_slice %arg3[%dma_wait3A_586, %add3A_376, %dma_wait3A_591] : memref<4x4096x1024xf32, #tpu.memory_space<hbm>> -> memref<1x32x1024xf32, #tpu.memory_space<hbm>>
    %dma_wait3A_593 = tpu.memref_squeeze %dma_wait3A_592 : memref<1x32x1024xf32, #tpu.memory_space<hbm>> -> memref<32x1024xf32, #tpu.memory_space<hbm>>
    %dma_wait3A_594 = arith.constant 0 : i32
    %dma_wait3A_595 = tpu.memref_slice %arg3[%dma_wait3A_586, %add3A_376, %dma_wait3A_594] : memref<4x4096x1024xf32, #tpu.memory_space<hbm>> -> memref<1x32x1024xf32, #tpu.memory_space<hbm>>
    %dma_wait3A_596 = tpu.memref_squeeze %dma_wait3A_595 : memref<1x32x1024xf32, #tpu.memory_space<hbm>> -> memref<32x1024xf32, #tpu.memory_space<hbm>>
    %dma_wait3A_597 = arith.constant 0 : i32
    %dma_wait3A_598 = arith.constant 0 : i32
    %dma_wait3A_599 = tpu.memref_slice %arg4[%dma_wait3A_585, %dma_wait3A_597, %dma_wait3A_598] : memref<3x32x1024xf32, #tpu.memory_space<vmem>> -> memref<1x32x1024xf32, #tpu.memory_space<vmem>>
    %dma_wait3A_600 = tpu.memref_squeeze %dma_wait3A_599 : memref<1x32x1024xf32, #tpu.memory_space<vmem>> -> memref<32x1024xf32, #tpu.memory_space<vmem>>
    tpu.wait_dma2 semaphore(%arg6 : memref<!tpu.dma_semaphore, #tpu.memory_space<semaphore_mem>>) src(%dma_wait3A_600 : memref<32x1024xf32, #tpu.memory_space<vmem>>) dst(%dma_wait3A_596 : memref<32x1024xf32, #tpu.memory_space<hbm>>)
    %dma_wait3A_601 = arith.constant 0 : i32
    %dma_wait3A_602 = arith.constant 2 : i32
    %dma_wait3A_603 = arith.constant 0 : i32
    %dma_wait3A_604 = arith.constant 0 : i32
    %dma_wait3A_605 = tpu.memref_slice %arg4[%dma_wait3A_601, %dma_wait3A_603, %dma_wait3A_604] : memref<3x32x1024xf32, #tpu.memory_space<vmem>> -> memref<1x32x1024xf32, #tpu.memory_space<vmem>>
    %dma_wait3A_606 = tpu.memref_squeeze %dma_wait3A_605 : memref<1x32x1024xf32, #tpu.memory_space<vmem>> -> memref<32x1024xf32, #tpu.memory_space<vmem>>
    %dma_wait3A_607 = arith.constant 0 : i32
    %dma_wait3A_608 = tpu.memref_slice %arg3[%dma_wait3A_602, %add3A_376, %dma_wait3A_607] : memref<4x4096x1024xf32, #tpu.memory_space<hbm>> -> memref<1x32x1024xf32, #tpu.memory_space<hbm>>
    %dma_wait3A_609 = tpu.memref_squeeze %dma_wait3A_608 : memref<1x32x1024xf32, #tpu.memory_space<hbm>> -> memref<32x1024xf32, #tpu.memory_space<hbm>>
    %dma_wait3A_610 = arith.constant 0 : i32
    %dma_wait3A_611 = tpu.memref_slice %arg3[%dma_wait3A_602, %add3A_376, %dma_wait3A_610] : memref<4x4096x1024xf32, #tpu.memory_space<hbm>> -> memref<1x32x1024xf32, #tpu.memory_space<hbm>>
    %dma_wait3A_612 = tpu.memref_squeeze %dma_wait3A_611 : memref<1x32x1024xf32, #tpu.memory_space<hbm>> -> memref<32x1024xf32, #tpu.memory_space<hbm>>
    %dma_wait3A_613 = arith.constant 0 : i32
    %dma_wait3A_614 = arith.constant 0 : i32
    %dma_wait3A_615 = tpu.memref_slice %arg4[%dma_wait3A_601, %dma_wait3A_613, %dma_wait3A_614] : memref<3x32x1024xf32, #tpu.memory_space<vmem>> -> memref<1x32x1024xf32, #tpu.memory_space<vmem>>
    %dma_wait3A_616 = tpu.memref_squeeze %dma_wait3A_615 : memref<1x32x1024xf32, #tpu.memory_space<vmem>> -> memref<32x1024xf32, #tpu.memory_space<vmem>>
    tpu.wait_dma2 semaphore(%arg6 : memref<!tpu.dma_semaphore, #tpu.memory_space<semaphore_mem>>) src(%dma_wait3A_616 : memref<32x1024xf32, #tpu.memory_space<vmem>>) dst(%dma_wait3A_612 : memref<32x1024xf32, #tpu.memory_space<hbm>>)
    %dma_wait3A_617 = arith.constant 0 : i32
    %dma_wait3A_618 = arith.constant 3 : i32
    %dma_wait3A_619 = arith.constant 0 : i32
    %dma_wait3A_620 = arith.constant 0 : i32
    %dma_wait3A_621 = tpu.memref_slice %arg4[%dma_wait3A_617, %dma_wait3A_619, %dma_wait3A_620] : memref<3x32x1024xf32, #tpu.memory_space<vmem>> -> memref<1x32x1024xf32, #tpu.memory_space<vmem>>
    %dma_wait3A_622 = tpu.memref_squeeze %dma_wait3A_621 : memref<1x32x1024xf32, #tpu.memory_space<vmem>> -> memref<32x1024xf32, #tpu.memory_space<vmem>>
    %dma_wait3A_623 = arith.constant 0 : i32
    %dma_wait3A_624 = tpu.memref_slice %arg3[%dma_wait3A_618, %add3A_376, %dma_wait3A_623] : memref<4x4096x1024xf32, #tpu.memory_space<hbm>> -> memref<1x32x1024xf32, #tpu.memory_space<hbm>>
    %dma_wait3A_625 = tpu.memref_squeeze %dma_wait3A_624 : memref<1x32x1024xf32, #tpu.memory_space<hbm>> -> memref<32x1024xf32, #tpu.memory_space<hbm>>
    %dma_wait3A_626 = arith.constant 0 : i32
    %dma_wait3A_627 = tpu.memref_slice %arg3[%dma_wait3A_618, %add3A_376, %dma_wait3A_626] : memref<4x4096x1024xf32, #tpu.memory_space<hbm>> -> memref<1x32x1024xf32, #tpu.memory_space<hbm>>
    %dma_wait3A_628 = tpu.memref_squeeze %dma_wait3A_627 : memref<1x32x1024xf32, #tpu.memory_space<hbm>> -> memref<32x1024xf32, #tpu.memory_space<hbm>>
    %dma_wait3A_629 = arith.constant 0 : i32
    %dma_wait3A_630 = arith.constant 0 : i32
    %dma_wait3A_631 = tpu.memref_slice %arg4[%dma_wait3A_617, %dma_wait3A_629, %dma_wait3A_630] : memref<3x32x1024xf32, #tpu.memory_space<vmem>> -> memref<1x32x1024xf32, #tpu.memory_space<vmem>>
    %dma_wait3A_632 = tpu.memref_squeeze %dma_wait3A_631 : memref<1x32x1024xf32, #tpu.memory_space<vmem>> -> memref<32x1024xf32, #tpu.memory_space<vmem>>
    tpu.wait_dma2 semaphore(%arg6 : memref<!tpu.dma_semaphore, #tpu.memory_space<semaphore_mem>>) src(%dma_wait3A_632 : memref<32x1024xf32, #tpu.memory_space<vmem>>) dst(%dma_wait3A_628 : memref<32x1024xf32, #tpu.memory_space<hbm>>)
    return
  }
}

</mosaic_0001>

<sc_bundles>
// kernel: _pos_embed.3.cloned.1.call-start
scs
__scs_entry_jumppad:
0x0: {  	(pc) =	sbr.rel $0x88, $3  }
0x1: {  	(tag) =	ssettag $0x0;
	lr =	simm.s32 $0x1  }
0x2: {  	[smem:$0x3FA0] =	sst lr;
	_ =	strace $0xD0000000  }
0x3: {  	_ = 	snop  }
0x4: {  	_ = 	snop  }
0x5: {  	_ = 	snop  }
0x6: {  	_ = 	snop  }
0x7: {  	_ = 	snop  }
__scs_overlays_trampoline_lowered:
0x8: {  	[smem:$0x3FAF] =	sst s0  }
0x9: {  	[smem:$0x3FB0] =	sst s1  }
0xa: {  	[smem:$0x3FB1] =	sst s2  }
0xb: {  	[smem:$0x3FB2] =	sst s3  }
0xc: {  	[smem:$0x3FB3] =	sst s4  }
0xd: {  	[smem:$0x3FB4] =	sst s5  }
0xe: {  	[smem:$0x3FB5] =	sst s6  }
0xf: {  	[smem:$0x3FB6] =	sst s7  }
0x10: {  	[smem:$0x3FB7] =	sst s8  }
0x11: {  	[smem:$0x3FB8] =	sst s9;
	s0 =	simm.s32 @!p0 $0x0  }
0x12: {  	s1 =	sld [smem:$0x3F9E];
	s0 =	simm.s32 @p0 $0x1  }
0x13: {  	[smem:$0x3FB9] =	sst s0;
	s0 =	simm.s32 @!p1 $0x0  }
0x14: {  	s2 =	sld [smem:$0x3F9D];
	s0 =	simm.s32 @p1 $0x1  }
0x15: {  	[smem:$0x3FBA] =	sst s0;
	s0 =	simm.s32 @!p2 $0x0  }
0x16: {  	s3 =	sld [smem:$0x3FDB];
	s0 =	simm.s32 @p2 $0x1  }
0x17: {  	s4 =	simm.s32 $0x1BF5;
	[smem:$0x3FBC] =	sst s0  }
0x18: {  	s0 =	sld [smem:$0x3F9F];
	_ =	swait.ge [sflag:s4], $0x0  }
0x19: {  	s7 =	sld [smem:$0x3FA0]  }
0x1a: {  	s8 =	sadd.s32 $0xFFFFE003, lr  }
0x1b: {  	s9 =	sadd.s32 $0xFFFFFEF7, lr;
	s5 =	simm.s32 $0xFFFFFFFF;
	p2 =	slt.u32 s8, $0xFFFFF086  }
0x1c: {  	p1 =	slt.u32 s9, $0xF7A;
	s5 =	simm.s32 @!p2 $0x0  }
0x1d: {  	s5 =	simm.s32 @p1 $0x1;
	p0 =	seq.s32 s7, s2  }
0x1e: {  	s7 =	smul.u32 @!p0 $0xF7A, s2;
	p2 =	seq.s32 @!p0 s5, $0x0  }
0x1f: {  	s9 =	smul.u32 $0xF7A, s1;
	s8 =	simm.s32 @!p0 $0x1BF5;
	p2 =	por !p2, p0  }
0x20: {  	[sflag:s8] =	ssyncset.s32 @!p0 $0xFFFFF086;
	s6 =	sadd.s32 @!p0 s3, s7;
	s7 =	simm.s32 @!p0 $0x108  }
0x21: {  	s3 =	sadd.s32 s3, s9;
	s6 =	sadd.s32 @!p0 $0x88, s6;
	s7 =	simm.s32 @p2 $0x1082  }
0x22: {  	[simem:s7], [sflag:s8] =	dma.local @!p0 [hbm:s6], $0xF7A  }
0x23: {  	s9 =	sor.u32 $0xD0000000, s2;
	s6 =	simm.s32 $0x108;
	_ =	swait.ge @!p0 [sflag:s8], $0x0  }
0x24: {  	s3 =	sadd.s32 $0x88, s3;
	s6 =	simm.s32 @!p1 $0x1082;
	[sflag:s4] =	ssyncset.s32 $0xFFFFF086  }
0x25: {  	[simem:s6], [sflag:s4] =	dma.local [hbm:s3], $0xF7A  }
0x26: {  	[smem:$0x3FA0] =	sst s1;
	(tag) =	ssettag s2;
	_ =	strace s9  }
0x27: {  	s1 =	sld [smem:$0x3FB0]  }
0x28: {  	s2 =	sld [smem:$0x3FB1]  }
0x29: {  	s4 =	sld [smem:$0x3FB3]  }
0x2a: {  	p0 =	seq.s32 s5, $0x0;
	s5 =	sld [smem:$0x3FB4]  }
0x2b: {  	s6 =	sld [smem:$0x3FB5]  }
0x2c: {  	s7 =	sld [smem:$0x3FB6]  }
0x2d: {  	s3 =	simm.s32 $0x108;
	s8 =	sld [smem:$0x3FB7]  }
0x2e: {  	s3 =	simm.s32 @!p0 $0x1082;
	s9 =	sld [smem:$0x3FB8]  }
0x2f: {  	lr =	sadd.s32 s0, s3;
	s0 =	sld [smem:$0x3FAF]  }
0x30: {  	s3 =	sld [smem:$0x3FB2]  }
0x31: {  	[smem:$0x3FBB] =	sst s10  }
0x32: {  	s10 =	sld [smem:$0x3FB9];
	_ =	sdelay $0x3  }
0x33: {  	p0 =	seq.s32 s10, $0x1;
	s10 =	sld [smem:$0x3FBB];
	_ =	sdelay $0x3  }
0x34: {  	[smem:$0x3FBB] =	sst s10  }
0x35: {  	s10 =	sld [smem:$0x3FBA];
	_ =	sdelay $0x3  }
0x36: {  	p1 =	seq.s32 s10, $0x1;
	s10 =	sld [smem:$0x3FBB];
	_ =	sdelay $0x3  }
0x37: {  	[smem:$0x3FBB] =	sst s10  }
0x38: {  	s10 =	sld [smem:$0x3FBC]  }
0x39: {  	_ = 	snop;
	(pc) =	sbr.ind lr, $3  }
0x3a: {  	_ = 	snop  }
0x3b: {  	_ = 	snop  }
0x3c: {  	p2 =	seq.s32 s10, $0x1;
	s10 =	sld [smem:$0x3FBB]  }
0x3d: {  	_ =	shalt  }
0x3e: {  	_ =	shalt  }
0x3f: {  	_ =	shalt  }
0x40: {  	_ =	shalt  }
0x41: {  	_ =	shalt  }
0x42: {  	_ =	shalt  }
0x43: {  	_ =	shalt  }
0x44: {  	_ =	shalt  }
0x45: {  	_ =	shalt  }
0x46: {  	_ =	shalt  }
0x47: {  	_ =	shalt  }
0x48: {  	_ =	shalt  }
0x49: {  	_ =	shalt  }
0x4a: {  	_ =	shalt  }
0x4b: {  	_ =	shalt  }
0x4c: {  	_ =	shalt  }
0x4d: {  	_ =	shalt  }
0x4e: {  	_ =	shalt  }
0x4f: {  	_ =	shalt  }
0x50: {  	_ =	shalt  }
0x51: {  	_ =	shalt  }
0x52: {  	_ =	shalt  }
0x53: {  	_ =	shalt  }
0x54: {  	_ =	shalt  }
0x55: {  	_ =	shalt  }
0x56: {  	_ =	shalt  }
0x57: {  	_ =	shalt  }
0x58: {  	_ =	shalt  }
0x59: {  	_ =	shalt  }
0x5a: {  	_ =	shalt  }
0x5b: {  	_ =	shalt  }
0x5c: {  	_ =	shalt  }
0x5d: {  	_ =	shalt  }
0x5e: {  	_ =	shalt  }
0x5f: {  	_ =	shalt  }
0x60: {  	_ =	shalt  }
0x61: {  	_ =	shalt  }
0x62: {  	_ =	shalt  }
0x63: {  	_ =	shalt  }
0x64: {  	_ =	shalt  }
0x65: {  	_ =	shalt  }
0x66: {  	_ =	shalt  }
0x67: {  	_ =	shalt  }
0x68: {  	_ =	shalt  }
0x69: {  	_ =	shalt  }
0x6a: {  	_ =	shalt  }
0x6b: {  	_ =	shalt  }
0x6c: {  	_ =	shalt  }
0x6d: {  	_ =	shalt  }
0x6e: {  	_ =	shalt  }
0x6f: {  	_ =	shalt  }
0x70: {  	_ =	shalt  }
0x71: {  	_ =	shalt  }
0x72: {  	_ =	shalt  }
0x73: {  	_ =	shalt  }
0x74: {  	_ =	shalt  }
0x75: {  	_ =	shalt  }
0x76: {  	_ =	shalt  }
0x77: {  	_ =	shalt  }
0x78: {  	_ =	shalt  }
0x79: {  	_ =	shalt  }
0x7a: {  	_ =	shalt  }
0x7b: {  	_ =	shalt  }
0x7c: {  	_ =	shalt  }
0x7d: {  	_ =	shalt  }
0x7e: {  	_ =	shalt  }
0x7f: {  	_ =	shalt  }
0x80: {  	_ =	shalt  }
0x81: {  	_ =	shalt  }
0x82: {  	_ =	shalt  }
0x83: {  	_ =	shalt  }
0x84: {  	_ =	shalt  }
0x85: {  	_ =	shalt  }
0x86: {  	_ =	shalt  }
0x87: {  	_ =	shalt  }
.Lfunc_end0:
.L_simem_size_0:
called_computation_lowered:
.L_overlay_start_0:
0x88: {  	s2 =	sld [smem:$0x3FD9]  }
0x89: {  	s3 =	sld [smem:$0x3FFE];
	_ =	sdelay $0x1  }
0x8a: {  	s1 =	srdreg.scid  }
0x8b: {  	s0 =	sand.u32 $0x1, s1  }
0x8c: {  	s18 =	sshll.u32 s0, $0xA;
	s2 =	sadd.s32 s3, s2  }
0x8d: {  	s2 =	sadd.s32 s2, s18  }
0x8e: {  	[smem:$0x3FC7] =	sst s2  }
0x8f: {  	_ = 	snop  }
0x90: {  	s2 =	sld [smem:$0x3FC9]  }
0x91: {  	s19 =	sld [smem:$0x3FD0];
	(tm) =	ssettm $0x1  }
0x92: {  	s4 =	sld [smem:$0x3FFB];
	_ =	sdelay $0x3  }
0x93: {  	_ =	strace s4  }
0x94: {  	s4 =	sld [smem:$0x3FFC];
	_ =	sdelay $0x3  }
0x95: {  	_ =	strace s4  }
0x96: {  	s4 =	sld [smem:$0x3FFD];
	_ =	sdelay $0x3  }
0x97: {  	_ =	strace s4  }
0x98: {  	_ =	strace $0x8FFFFFFF  }
0x99: {  	s20 =	sld [smem:$0x3FDB];
	_ =	sdelay $0x1  }
0x9a: {  	s5 =	simm.s32 $_scs_section_size  }
0x9b: {  	s6 =	simm.s32 $_size__tile_overlayer_lowered;
	s7 =	simm.s32 $_tile_overlayer_lowered  }
0x9c: {  	s23 =	simm.s32 $0x1BFF;
	s22 =	sshll.u32 s7, $0x1;
	s4 =	sadd.s32 s5, s20  }
0x9d: {  	s8 =	simm.s32 $0x0;
	s21 =	sshll.u32 s6, $0x1;
	s6 =	sadd.s32 s22, s4  }
0x9e: {  	[timem:s8], [sflag:s23] =	dma.local [hbm:s6], s21  }
0x9f: {  	_ =	swait.ge [sflag:s23], s21  }
0xa0: {  	s5 =	ssub.s32 $0x0, s21;
	[sflag:s23] =	ssyncset.done $0x0  }
0xa1: {  	[sflag:s23] =	ssyncadd.s32 s5;
	_ =	sdelay $0x1  }
0xa2: {  	s24 =	simm.s32 $0x1B8B  }
0xa3: {  	_ =	swait.ge [sflag:s24], $0x1  }
0xa4: {  	[sflag:s24] =	ssyncset.done $0x0  }
0xa5: {  	s25 =	simm.s32 $0x1B8E;
	[sflag:s24] =	ssyncadd.s32 $0xFFFFFFFF  }
0xa6: {  	s26 =	simm.s32 $execute0_lowered;
	[smem:$0x3FD2] =	sst s25  }
0xa7: {  	s5 =	sshll.u32 s26, $0x1;
	_ =	strace $0x80000046;
	[dreg:$0x1] =	wrdreg $0xFFFFFFFF  }
0xa8: {  	s28 =	simm.s32 $_size_execute0_lowered;
	s4 =	sadd.s32 s4, s5;
	[dreg:$0x0] =	wrdreg $0x0  }
0xa9: {  	s5 =	sshll.u32 s28, $0x1;
	[dreg:$0x2] =	wrdreg s4  }
0xaa: {  	[dreg:$0x3] =	wrdreg s5  }
0xab: {  	[dreg:$0x4] =	wrdreg $0xC0  }
0xac: {  	_ =	task [dreg:s8], $0x5FFFF  }
0xad: {  	[dreg:$0x1] =	wrdreg $0xFFFFFFFF  }
0xae: {  	[dreg:$0x0] =	wrdreg $0x60  }
0xaf: {  	[dreg:$0x2] =	wrdreg s2  }
0xb0: {  	[dreg:$0x3] =	wrdreg s19  }
0xb1: {  	[dreg:$0x4] =	wrdreg $0x9  }
0xb2: {  	_ =	task.clear_ibuf [dreg:s8], $0x5FFFF;
	_ =	strace $0x90000046  }
0xb3: {  	s29 =	simm.s32 $0x9;
	_ =	strace $0x80000048  }
0xb4: {  	_ =	swait.ge [sflag:s29], $0x1  }
0xb5: {  	[sflag:s29] =	ssyncadd.s32 $0xFFFFFFFF  }
0xb6: {  	_ =	strace $0x90000048  }
0xb7: {  	_ =	sfence  }
0xb8: {  	s30 =	sld [smem:$0x0];
	_ =	sdelay $0x2  }
0xb9: {  	s31 =	sshll.u32 s1, $0xD;
	s1 =	sshrl.u32 s1, $0x2  }
0xba: {  	s3 =	sand.u32 $0x4000, s31;
	s1 =	sadd.s32 s1, s30  }
0xbb: {  	s0 =	sor.u32 s3, s0;
	s1 =	sshll.u32 s1, $0x11  }
0xbc: {  	s0 =	sor.u32 s1, s0  }
0xbd: {  	s0 =	sadd.s32 $0x8F2B, s0  }
0xbe: {  	[sflag:s0] =	ssyncadd.remote.s32 $0x1  }
0xbf: {  	_ =	sfence.sel $0xFFFF  }
0xc0: {  	[dreg:$0x0] =	wrdreg $0xFFFFFFFF;
	(pc) =	sbr.abs _section_cstart, $3  }
0xc1: {  	[dreg:$0x1] =	wrdreg $0xFFFFFFFF  }
0xc2: {  	_ =	task.clear_ibuf [dreg:s8], $0x2FFFF;
	_ =	strace $0x9FFFFFFF  }
0xc3: {  	(tm) =	ssettm $0x7FFFFFFF  }
tec
execute0_lowered:
.L_overlay_start_1:
0x0: {  	(tag) =	ssettag $0x1  }
0x1: {  	s18 =	rddreg [dreg:$0x0]  }
0x2: {  	s23 =	rddreg [dreg:$0x1];
	s2 =	srdreg.scid  }
0x3: {  	s0 =	rddreg [dreg:$0x2];
	s1 =	stileid.u32;
	s28 =	sand.u32 $0x1, s2  }
0x4: {  	s2 =	simm.s32 $0x0;
	s4 =	sshll.u32 s1, $0xE;
	s3 =	sshll.u32 s28, $0x12  }
0x5: {  	[smem:$0x7FF] =	sst s2;
	s19 =	sor.u32 s4, s3  }
0x6: {  	_ =	strace $0x80000047;
	s3 =	sadd.s32 s18, s19;
	s13 =	sor.u32 $0x1000, s19  }
0x7: {  	[tilespmem:s2], [sflag:$0x1] =	stream.linear.gather [hbm4b:s3+s2], $0x8000, $0x38;
	[tilespmem:$0x18000] =	vst v63  }
0x8: {  	s5 =	simm.s32 $0x8000;
	s6 =	simm.s32 $0x1;
	s4 =	sadd.s32 s18, s13  }
0x9: {  	[tilespmem:s5], [sflag:$0x1] =	stream.linear.gather [hbm4b:s4+s2], $0x8000, $0x38;
	[tilespmem:$0x18000] =	vst v63  }
0xa: {  	_ =	swait.ge [sflag:s6], $0x8000  }
0xb: {  	[sflag:s6] =	ssyncset.done $0x0  }
0xc: {  	s7 =	sadd.s32 s23, s19;
	[sflag:s6] =	ssyncadd.s32 $0xFFFF8000  }
0xd: {  	[hbm4b:s7+s2] =	stream.linear.scatter [tilespmem:s2], [sflag:$0x2], $0x8000, $0x38;
	[tilespmem:$0x18000] =	vst v63  }
0xe: {  	s8 =	sadd.s32 $0x80000, s7  }
0xf: {  	[hbm4b:s8+s2] =	stream.linear.scatter [tilespmem:s2], [sflag:$0x2], $0x8000, $0x38;
	[tilespmem:$0x18000] =	vst v63  }
0x10: {  	s9 =	sadd.s32 $0x100000, s7  }
0x11: {  	[hbm4b:s9+s2] =	stream.linear.scatter [tilespmem:s2], [sflag:$0x2], $0x8000, $0x38;
	[tilespmem:$0x18000] =	vst v63  }
0x12: {  	s20 =	sor.u32 $0x2000, s19;
	s10 =	sadd.s32 $0x180000, s7  }
0x13: {  	[hbm4b:s10+s2] =	stream.linear.scatter [tilespmem:s2], [sflag:$0x2], $0x8000, $0x38;
	[tilespmem:$0x18000] =	vst v63  }
0x14: {  	s12 =	simm.s32 $0x10000;
	s11 =	sadd.s32 s18, s20  }
0x15: {  	[tilespmem:s12], [sflag:$0x1] =	stream.linear.gather [hbm4b:s11+s2], $0x8000, $0x38;
	[tilespmem:$0x18000] =	vst v63  }
0x16: {  	_ =	swait.ge [sflag:s6], $0x8000  }
0x17: {  	[sflag:s6] =	ssyncset.done $0x0  }
0x18: {  	s13 =	sadd.s32 s23, s13;
	[sflag:s6] =	ssyncadd.s32 $0xFFFF8000  }
0x19: {  	[hbm4b:s13+s2] =	stream.linear.scatter [tilespmem:s5], [sflag:$0x2], $0x8000, $0x38;
	[tilespmem:$0x18000] =	vst v63  }
0x1a: {  	s14 =	sadd.s32 $0x81000, s7  }
0x1b: {  	[hbm4b:s14+s2] =	stream.linear.scatter [tilespmem:s5], [sflag:$0x2], $0x8000, $0x38;
	[tilespmem:$0x18000] =	vst v63  }
0x1c: {  	s15 =	sadd.s32 $0x101000, s7  }
0x1d: {  	[hbm4b:s15+s2] =	stream.linear.scatter [tilespmem:s5], [sflag:$0x2], $0x8000, $0x38;
	[tilespmem:$0x18000] =	vst v63  }
0x1e: {  	s16 =	simm.s32 $0x2;
	s17 =	sadd.s32 $0x181000, s7  }
0x1f: {  	[hbm4b:s17+s2] =	stream.linear.scatter [tilespmem:s5], [sflag:$0x2], $0x8000, $0x38;
	[tilespmem:$0x18000] =	vst v63  }
0x20: {  	_ =	swait.ge [sflag:s16], $0x8000  }
0x21: {  	[sflag:s16] =	ssyncset.done $0x0  }
0x22: {  	[sflag:s16] =	ssyncadd.s32 $0xFFFF8000  }
0x23: {  	_ =	swait.ge [sflag:s16], $0x8000  }
0x24: {  	[sflag:s16] =	ssyncset.done $0x0  }
0x25: {  	[sflag:s16] =	ssyncadd.s32 $0xFFFF8000  }
0x26: {  	_ =	swait.ge [sflag:s16], $0x8000  }
0x27: {  	[sflag:s16] =	ssyncset.done $0x0  }
0x28: {  	[sflag:s16] =	ssyncadd.s32 $0xFFFF8000  }
0x29: {  	_ =	swait.ge [sflag:s16], $0x8000  }
0x2a: {  	s24 =	sor.u32 $0x3000, s19;
	[sflag:s16] =	ssyncset.done $0x0  }
0x2b: {  	s18 =	sadd.s32 s18, s24;
	[sflag:s16] =	ssyncadd.s32 $0xFFFF8000  }
0x2c: {  	[tilespmem:s2], [sflag:$0x1] =	stream.linear.gather [hbm4b:s18+s2], $0x8000, $0x38;
	[tilespmem:$0x18000] =	vst v63  }
0x2d: {  	_ =	swait.ge [sflag:s6], $0x8000  }
0x2e: {  	[sflag:s6] =	ssyncset.done $0x0  }
0x2f: {  	s19 =	sadd.s32 s23, s20;
	[sflag:s6] =	ssyncadd.s32 $0xFFFF8000  }
0x30: {  	[hbm4b:s19+s2] =	stream.linear.scatter [tilespmem:s12], [sflag:$0x2], $0x8000, $0x38;
	[tilespmem:$0x18000] =	vst v63  }
0x31: {  	s20 =	sadd.s32 $0x82000, s7  }
0x32: {  	[hbm4b:s20+s2] =	stream.linear.scatter [tilespmem:s12], [sflag:$0x2], $0x8000, $0x38;
	[tilespmem:$0x18000] =	vst v63  }
0x33: {  	s21 =	sadd.s32 $0x102000, s7  }
0x34: {  	[hbm4b:s21+s2] =	stream.linear.scatter [tilespmem:s12], [sflag:$0x2], $0x8000, $0x38;
	[tilespmem:$0x18000] =	vst v63  }
0x35: {  	s22 =	sadd.s32 $0x182000, s7  }
0x36: {  	[hbm4b:s22+s2] =	stream.linear.scatter [tilespmem:s12], [sflag:$0x2], $0x8000, $0x38;
	[tilespmem:$0x18000] =	vst v63  }
0x37: {  	_ =	swait.ge [sflag:s6], $0x8000  }
0x38: {  	[sflag:s6] =	ssyncset.done $0x0  }
0x39: {  	s23 =	sadd.s32 s23, s24;
	[sflag:s6] =	ssyncadd.s32 $0xFFFF8000  }
0x3a: {  	[hbm4b:s23+s2] =	stream.linear.scatter [tilespmem:s2], [sflag:$0x2], $0x8000, $0x38;
	[tilespmem:$0x18000] =	vst v63  }
0x3b: {  	s24 =	sadd.s32 $0x83000, s7  }
0x3c: {  	[hbm4b:s24+s2] =	stream.linear.scatter [tilespmem:s2], [sflag:$0x2], $0x8000, $0x38;
	[tilespmem:$0x18000] =	vst v63  }
0x3d: {  	s25 =	sadd.s32 $0x103000, s7  }
0x3e: {  	[hbm4b:s25+s2] =	stream.linear.scatter [tilespmem:s2], [sflag:$0x2], $0x8000, $0x38;
	[tilespmem:$0x18000] =	vst v63  }
0x3f: {  	s26 =	sadd.s32 $0x183000, s7  }
0x40: {  	[hbm4b:s26+s2] =	stream.linear.scatter [tilespmem:s2], [sflag:$0x2], $0x8000, $0x38;
	[tilespmem:$0x18000] =	vst v63  }
0x41: {  	_ =	swait.ge [sflag:s16], $0x8000  }
0x42: {  	[sflag:s16] =	ssyncset.done $0x0  }
0x43: {  	[sflag:s16] =	ssyncadd.s32 $0xFFFF8000  }
0x44: {  	_ =	swait.ge [sflag:s16], $0x8000  }
0x45: {  	[sflag:s16] =	ssyncset.done $0x0  }
0x46: {  	[sflag:s16] =	ssyncadd.s32 $0xFFFF8000  }
0x47: {  	_ =	swait.ge [sflag:s16], $0x8000  }
0x48: {  	[sflag:s16] =	ssyncset.done $0x0  }
0x49: {  	[sflag:s16] =	ssyncadd.s32 $0xFFFF8000  }
0x4a: {  	_ =	swait.ge [sflag:s16], $0x8000  }
0x4b: {  	[sflag:s16] =	ssyncset.done $0x0  }
0x4c: {  	[sflag:s16] =	ssyncadd.s32 $0xFFFF8000  }
0x4d: {  	_ =	swait.ge [sflag:s16], $0x8000  }
0x4e: {  	[sflag:s16] =	ssyncset.done $0x0  }
0x4f: {  	[sflag:s16] =	ssyncadd.s32 $0xFFFF8000  }
0x50: {  	_ =	swait.ge [sflag:s16], $0x8000  }
0x51: {  	[sflag:s16] =	ssyncset.done $0x0  }
0x52: {  	[sflag:s16] =	ssyncadd.s32 $0xFFFF8000  }
0x53: {  	_ =	swait.ge [sflag:s16], $0x8000  }
0x54: {  	[sflag:s16] =	ssyncset.done $0x0  }
0x55: {  	[sflag:s16] =	ssyncadd.s32 $0xFFFF8000  }
0x56: {  	_ =	swait.ge [sflag:s16], $0x8000  }
0x57: {  	[sflag:s16] =	ssyncset.done $0x0  }
0x58: {  	[sflag:s16] =	ssyncadd.s32 $0xFFFF8000  }
0x59: {  	_ =	swait.ge [sflag:s16], $0x8000  }
0x5a: {  	s28 =	ssub.s32 $0x2, s28;
	[sflag:s16] =	ssyncset.done $0x0  }
0x5b: {  	s29 =	sshrl.u32 s28, $0x1;
	[sflag:s16] =	ssyncadd.s32 $0xFFFF8000  }
0x5c: {  	s28 =	ssub.s32 s28, s29;
	_ =	swait.ge [sflag:s16], $0x8000  }
0x5d: {  	s28 =	smax.u32 s28, $0x1;
	[sflag:s16] =	ssyncset.done $0x0  }
0x5e: {  	p0 =	sne.s32 s28, $0x1;
	[sflag:s16] =	ssyncadd.s32 $0xFFFF8000  }
.Ltmp0:
0x5f: {  	_ =	swait.ge [sflag:s16], $0x8000;
	(pc) =	sbr.rel @!p0 .LBB2_2-.Ltmp0, $4  }
0x60: {  	[sflag:s16] =	ssyncset.done $0x0  }
0x61: {  	[sflag:s16] =	ssyncadd.s32 $0xFFFF8000  }
0x62: {  	_ =	swait.ge [sflag:s16], $0x8000  }
0x63: {  	s28 =	sadd.s32 $0xFFFFFFFF, s28;
	[sflag:s16] =	ssyncset.done $0x0  }
.LBB2_1:
0x64: {  	p0 =	sne.s32 s28, $0x1;
	s28 =	sadd.s32 $0xFFFFFFFF, s28;
	[sflag:s16] =	ssyncadd.s32 $0xFFFF8000  }
0x65: {  	[tilespmem:s2], [sflag:$0x1] =	stream.linear.gather [hbm4b:s3+s2], $0x8000, $0x38;
	[tilespmem:$0x18000] =	vst v63  }
0x66: {  	_ = 	snop  }
0x67: {  	[tilespmem:s5], [sflag:$0x1] =	stream.linear.gather [hbm4b:s4+s2], $0x8000, $0x38;
	[tilespmem:$0x18000] =	vst v63  }
0x68: {  	_ =	swait.ge [sflag:s6], $0x8000  }
0x69: {  	[sflag:s6] =	ssyncset.done $0x0  }
0x6a: {  	[sflag:s6] =	ssyncadd.s32 $0xFFFF8000  }
0x6b: {  	[hbm4b:s7+s2] =	stream.linear.scatter [tilespmem:s2], [sflag:$0x2], $0x8000, $0x38;
	[tilespmem:$0x18000] =	vst v63  }
0x6c: {  	_ = 	snop  }
0x6d: {  	[hbm4b:s8+s2] =	stream.linear.scatter [tilespmem:s2], [sflag:$0x2], $0x8000, $0x38;
	[tilespmem:$0x18000] =	vst v63  }
0x6e: {  	_ = 	snop  }
0x6f: {  	[hbm4b:s9+s2] =	stream.linear.scatter [tilespmem:s2], [sflag:$0x2], $0x8000, $0x38;
	[tilespmem:$0x18000] =	vst v63  }
0x70: {  	_ = 	snop  }
0x71: {  	[hbm4b:s10+s2] =	stream.linear.scatter [tilespmem:s2], [sflag:$0x2], $0x8000, $0x38;
	[tilespmem:$0x18000] =	vst v63  }
0x72: {  	_ = 	snop  }
0x73: {  	[tilespmem:s12], [sflag:$0x1] =	stream.linear.gather [hbm4b:s11+s2], $0x8000, $0x38;
	[tilespmem:$0x18000] =	vst v63  }
0x74: {  	_ =	swait.ge [sflag:s6], $0x8000  }
0x75: {  	[sflag:s6] =	ssyncset.done $0x0  }
0x76: {  	[sflag:s6] =	ssyncadd.s32 $0xFFFF8000  }
0x77: {  	[hbm4b:s13+s2] =	stream.linear.scatter [tilespmem:s5], [sflag:$0x2], $0x8000, $0x38;
	[tilespmem:$0x18000] =	vst v63  }
0x78: {  	_ = 	snop  }
0x79: {  	[hbm4b:s14+s2] =	stream.linear.scatter [tilespmem:s5], [sflag:$0x2], $0x8000, $0x38;
	[tilespmem:$0x18000] =	vst v63  }
0x7a: {  	_ = 	snop  }
0x7b: {  	[hbm4b:s15+s2] =	stream.linear.scatter [tilespmem:s5], [sflag:$0x2], $0x8000, $0x38;
	[tilespmem:$0x18000] =	vst v63  }
0x7c: {  	_ = 	snop  }
0x7d: {  	[hbm4b:s17+s2] =	stream.linear.scatter [tilespmem:s5], [sflag:$0x2], $0x8000, $0x38;
	[tilespmem:$0x18000] =	vst v63  }
0x7e: {  	_ =	swait.ge [sflag:s16], $0x8000  }
0x7f: {  	[sflag:s16] =	ssyncset.done $0x0  }
0x80: {  	[sflag:s16] =	ssyncadd.s32 $0xFFFF8000  }
0x81: {  	_ =	swait.ge [sflag:s16], $0x8000  }
0x82: {  	[sflag:s16] =	ssyncset.done $0x0  }
0x83: {  	[sflag:s16] =	ssyncadd.s32 $0xFFFF8000  }
0x84: {  	_ =	swait.ge [sflag:s16], $0x8000  }
0x85: {  	[sflag:s16] =	ssyncset.done $0x0  }
0x86: {  	[sflag:s16] =	ssyncadd.s32 $0xFFFF8000  }
0x87: {  	_ =	swait.ge [sflag:s16], $0x8000  }
0x88: {  	[sflag:s16] =	ssyncset.done $0x0  }
0x89: {  	[sflag:s16] =	ssyncadd.s32 $0xFFFF8000  }
0x8a: {  	[tilespmem:s2], [sflag:$0x1] =	stream.linear.gather [hbm4b:s18+s2], $0x8000, $0x38;
	[tilespmem:$0x18000] =	vst v63  }
0x8b: {  	_ =	swait.ge [sflag:s6], $0x8000  }
0x8c: {  	[sflag:s6] =	ssyncset.done $0x0  }
0x8d: {  	[sflag:s6] =	ssyncadd.s32 $0xFFFF8000  }
0x8e: {  	[hbm4b:s19+s2] =	stream.linear.scatter [tilespmem:s12], [sflag:$0x2], $0x8000, $0x38;
	[tilespmem:$0x18000] =	vst v63  }
0x8f: {  	_ = 	snop  }
0x90: {  	[hbm4b:s20+s2] =	stream.linear.scatter [tilespmem:s12], [sflag:$0x2], $0x8000, $0x38;
	[tilespmem:$0x18000] =	vst v63  }
0x91: {  	_ = 	snop  }
0x92: {  	[hbm4b:s21+s2] =	stream.linear.scatter [tilespmem:s12], [sflag:$0x2], $0x8000, $0x38;
	[tilespmem:$0x18000] =	vst v63  }
0x93: {  	_ = 	snop  }
0x94: {  	[hbm4b:s22+s2] =	stream.linear.scatter [tilespmem:s12], [sflag:$0x2], $0x8000, $0x38;
	[tilespmem:$0x18000] =	vst v63  }
0x95: {  	_ =	swait.ge [sflag:s6], $0x8000  }
0x96: {  	[sflag:s6] =	ssyncset.done $0x0  }
0x97: {  	[sflag:s6] =	ssyncadd.s32 $0xFFFF8000  }
0x98: {  	[hbm4b:s23+s2] =	stream.linear.scatter [tilespmem:s2], [sflag:$0x2], $0x8000, $0x38;
	[tilespmem:$0x18000] =	vst v63  }
0x99: {  	_ = 	snop  }
0x9a: {  	[hbm4b:s24+s2] =	stream.linear.scatter [tilespmem:s2], [sflag:$0x2], $0x8000, $0x38;
	[tilespmem:$0x18000] =	vst v63  }
0x9b: {  	_ = 	snop  }
0x9c: {  	[hbm4b:s25+s2] =	stream.linear.scatter [tilespmem:s2], [sflag:$0x2], $0x8000, $0x38;
	[tilespmem:$0x18000] =	vst v63  }
0x9d: {  	_ = 	snop  }
0x9e: {  	[hbm4b:s26+s2] =	stream.linear.scatter [tilespmem:s2], [sflag:$0x2], $0x8000, $0x38;
	[tilespmem:$0x18000] =	vst v63  }
0x9f: {  	_ =	swait.ge [sflag:s16], $0x8000  }
0xa0: {  	[sflag:s16] =	ssyncset.done $0x0  }
0xa1: {  	[sflag:s16] =	ssyncadd.s32 $0xFFFF8000  }
0xa2: {  	_ =	swait.ge [sflag:s16], $0x8000  }
0xa3: {  	[sflag:s16] =	ssyncset.done $0x0  }
0xa4: {  	[sflag:s16] =	ssyncadd.s32 $0xFFFF8000  }
0xa5: {  	_ =	swait.ge [sflag:s16], $0x8000  }
0xa6: {  	[sflag:s16] =	ssyncset.done $0x0  }
0xa7: {  	[sflag:s16] =	ssyncadd.s32 $0xFFFF8000  }
0xa8: {  	_ =	swait.ge [sflag:s16], $0x8000  }
0xa9: {  	[sflag:s16] =	ssyncset.done $0x0  }
0xaa: {  	[sflag:s16] =	ssyncadd.s32 $0xFFFF8000  }
0xab: {  	_ =	swait.ge [sflag:s16], $0x8000  }
0xac: {  	[sflag:s16] =	ssyncset.done $0x0  }
0xad: {  	[sflag:s16] =	ssyncadd.s32 $0xFFFF8000  }
0xae: {  	_ =	swait.ge [sflag:s16], $0x8000  }
0xaf: {  	[sflag:s16] =	ssyncset.done $0x0  }
0xb0: {  	[sflag:s16] =	ssyncadd.s32 $0xFFFF8000  }
0xb1: {  	_ =	swait.ge [sflag:s16], $0x8000  }
0xb2: {  	[sflag:s16] =	ssyncset.done $0x0  }
0xb3: {  	[sflag:s16] =	ssyncadd.s32 $0xFFFF8000  }
0xb4: {  	_ =	swait.ge [sflag:s16], $0x8000  }
0xb5: {  	[sflag:s16] =	ssyncset.done $0x0  }
0xb6: {  	[sflag:s16] =	ssyncadd.s32 $0xFFFF8000  }
0xb7: {  	_ =	swait.ge [sflag:s16], $0x8000  }
0xb8: {  	[sflag:s16] =	ssyncset.done $0x0  }
0xb9: {  	[sflag:s16] =	ssyncadd.s32 $0xFFFF8000  }
0xba: {  	_ =	swait.ge [sflag:s16], $0x8000  }
0xbb: {  	[sflag:s16] =	ssyncset.done $0x0  }
0xbc: {  	[sflag:s16] =	ssyncadd.s32 $0xFFFF8000  }
.Ltmp1:
0xbd: {  	_ =	swait.ge [sflag:s16], $0x8000;
	(pc) =	sbr.rel @p0 .LBB2_1-.Ltmp1, $4  }
0xbe: {  	[sflag:s16] =	ssyncset.done $0x0  }
0xbf: {  	[sflag:s16] =	ssyncadd.s32 $0xFFFF8000  }
0xc0: {  	_ =	swait.ge [sflag:s16], $0x8000  }
0xc1: {  	[sflag:s16] =	ssyncset.done $0x0  }
.LBB2_2:
0xc2: {  	[sflag:s16] =	ssyncadd.s32 $0xFFFF8000  }
0xc3: {  	_ =	sfence.sel $0x180000  }
0xc4: {  	[bflag:$0x0] =	sbarrier.arrive $0xFFFF  }
0xc5: {  	p0 =	sne.s32 s1, $0x0;
	_ =	strace $0x90000047  }
0xc6: {  	s0 =	sadd.s32 @!p0 $0x100000, s0;
	[bflag:$0x2] =	sbarrier.arrive $0xFFFF  }
0xc7: {  	[sflag:s0] =	ssyncadd.tile.s32 @!p0 $0x1;
	_ =	shalt  }
.Lfunc_end2:
_tile_overlayer_lowered:
.L_overlay_start_2:
0xc8: {  	(tag) =	ssettag $0x2  }
0xc9: {  	s0 =	rddreg [dreg:$0x0];
	s2 =	stileid.u32  }
0xca: {  	s1 =	rddreg [dreg:$0x1];
	p0 =	sne.s32 s2, $0x0  }
0xcb: {  	s3 =	rddreg [dreg:$0x2];
	[bflag:$0x3] =	sbarrier.arrive $0xFFFF;
	s2 =	simm.s32 @!p0 $0x1C03  }
0xcc: {  	[timem:s3], [sflag:s2] =	dma.local @!p0 [hbm:s0], s1  }
0xcd: {  	s0 =	simm.s32 @!p0 $0x3  }
0xce: {  	_ =	swait.ge @!p0 [sflag:s0], s1  }
0xcf: {  	s1 =	ssub.s32 @!p0 $0x0, s1;
	[sflag:s0] =	ssyncset.done @!p0 $0x0  }
0xd0: {  	[sflag:s0] =	ssyncadd.s32 @!p0 s1  }
0xd1: {  	[bflag:$0x3] =	sbarrier.arrive $0xFFFF  }
0xd2: {  	_ =	shalt  }

</sc_bundles>
